<compile_context>
chip_gen: v7x
topology: tpu7x:2x2x1
jax: 0.10.2.dev20260603
libtpu: 0.0.44.dev20260713+nightly
codegen_flags: <defaults>
</compile_context>

<pallas_src>
import functools

import jax
import jax.numpy as jnp
from jax import lax
from jax.experimental import pallas as pl
from jax.experimental.pallas import tpu as pltpu
from jax.experimental.pallas import tpu_sc as plsc

NC = 2
NS = 16
NW = NC * NS
CHUNK = 128


def _sc_mesh():
  return plsc.VectorSubcoreMesh(core_axis_name="c", subcore_axis_name="s",
                                num_cores=NC, num_subcores=NS)


def _make_deg_kernel(rpt, npad):
  zrows = npad // NS

  @functools.partial(
      pl.kernel,
      out_type=jax.ShapeDtypeStruct((NC, npad, 128), jnp.float32),
      mesh=_sc_mesh(),
      scratch_types=[
          pltpu.VMEM((rpt, CHUNK), jnp.int32),
          pltpu.VMEM((CHUNK, 128), jnp.float32),
          pltpu.VMEM_SHARED((npad, 128), jnp.float32),
      ],
  )
  def deg_kernel(dst3d, zeros, ones, out, dstv, onesv, dacc):
    c = lax.axis_index("c")
    s = lax.axis_index("s")
    w = c * NS + s
    pltpu.sync_copy(dst3d.at[w], dstv)
    pltpu.sync_copy(ones, onesv)
    pltpu.sync_copy(zeros, dacc.at[pl.ds(s * zrows, zrows)])
    plsc.subcore_barrier()

    @pl.loop(0, rpt)
    def _(j):
      pltpu.sync_copy(onesv, dacc.at[dstv.at[j]], add=True)

    plsc.subcore_barrier()
    pltpu.sync_copy(dacc.at[pl.ds(s * zrows, zrows)],
                    out.at[c, pl.ds(s * zrows, zrows)])

  return deg_kernel


def _make_agg_kernel(n, rpt, npad):
  zrows = npad // NS

  @functools.partial(
      pl.kernel,
      out_type=jax.ShapeDtypeStruct((NC, npad, 128), jnp.float32),
      mesh=_sc_mesh(),
      scratch_types=[
          pltpu.VMEM((rpt, CHUNK), jnp.int32),
          pltpu.VMEM((rpt, CHUNK), jnp.int32),
          pltpu.VMEM((CHUNK, 128), jnp.float32),
          pltpu.VMEM_SHARED((npad, 128), jnp.float32),
          pltpu.SemaphoreType.DMA,
      ],
  )
  def agg_kernel(table, src3d, dst3d, zeros, out, srcv, dstv, rows, acc, sem):
    c = lax.axis_index("c")
    s = lax.axis_index("s")
    w = c * NS + s
    pltpu.sync_copy(src3d.at[w], srcv)
    pltpu.sync_copy(dst3d.at[w], dstv)
    pltpu.sync_copy(zeros, acc.at[pl.ds(s * zrows, zrows)])
    plsc.subcore_barrier()

    @pl.loop(0, rpt)
    def _(j):
      pltpu.async_copy(table.at[srcv.at[j]], rows, sem).wait()
      pltpu.sync_copy(rows, acc.at[dstv.at[j]], add=True)

    plsc.subcore_barrier()
    pltpu.sync_copy(acc.at[pl.ds(s * zrows, zrows)],
                    out.at[c, pl.ds(s * zrows, zrows)])

  return agg_kernel


def _prep_body(degp_ref, x_ref, xs_ref, dsb_ref):
  d = degp_ref[0, :, 0:1] + degp_ref[1, :, 0:1] + 1.0
  dsb = jnp.broadcast_to(lax.rsqrt(d), xs_ref.shape)
  dsb_ref[...] = dsb
  xs_ref[...] = x_ref[...] * dsb


def _mid_body(p1_ref, xs_ref, dsb_ref, w1t_ref, b1_ref, w2t_ref, t_ref):
  s = (p1_ref[0] + p1_ref[1] + xs_ref[...]) * dsb_ref[...]
  h = jnp.dot(s, w1t_ref[...], preferred_element_type=jnp.float32)
  h = jnp.maximum(h + b1_ref[...], 0.0)
  t = jnp.dot(h, w2t_ref[...], preferred_element_type=jnp.float32)
  t_ref[...] = t * dsb_ref[...]


def _fin_body(p2_ref, t_ref, dsb_ref, b2_ref, wlt_ref, bl_ref, y_ref):
  s = (p2_ref[0] + p2_ref[1] + t_ref[...]) * dsb_ref[...]
  o = jnp.maximum(s + b2_ref[...], 0.0)
  y = jnp.dot(o, wlt_ref[...], preferred_element_type=jnp.float32)
  y_ref[...] = y + bl_ref[...]


def _row_spec(r, d):
  return pl.BlockSpec((r, d), lambda i: (i, 0))


def _part_spec(r, d):
  return pl.BlockSpec((NC, r, d), lambda i: (0, i, 0))


def _full_spec(shape):
  return pl.BlockSpec(shape, lambda i: tuple(0 for _ in shape))


def kernel(x, edge_index, W1, b1, W2, b2, Wl, bl):
  n, d_in = x.shape
  e = edge_index.shape[1]
  d_hid = W1.shape[0]
  d_out = W2.shape[0]

  rpt = -(-e // (NW * CHUNK))
  e_pad = NW * rpt * CHUNK
  npad = -((n + 1) // -128) * 128
  zrows = npad // NS

  src = edge_index[0]
  dst = edge_index[1]
  pad = e_pad - e
  pad_iota = jnp.arange(pad, dtype=jnp.int32)
  src3d = jnp.concatenate(
      [src, pad_iota % n]).reshape(NW, rpt, CHUNK)
  dst3d = jnp.concatenate(
      [dst, n + pad_iota % (npad - n)]).reshape(NW, rpt, CHUNK)

  zeros128 = jnp.zeros((zrows, 128), jnp.float32)
  ones128 = jnp.ones((CHUNK, 128), jnp.float32)

  deg_k = _make_deg_kernel(rpt, npad)
  agg_k = _make_agg_kernel(n, rpt, npad)

  degp = deg_k(dst3d, zeros128, ones128)

  r = 1000
  grid = (n // r,)

  xs, dsb = pl.pallas_call(
      _prep_body,
      grid=grid,
      in_specs=[_part_spec(r, 128), _row_spec(r, d_in)],
      out_specs=[_row_spec(r, d_in), _row_spec(r, d_in)],
      out_shape=[jax.ShapeDtypeStruct((n, d_in), jnp.float32),
                 jax.ShapeDtypeStruct((n, d_in), jnp.float32)],
  )(degp, x)

  p1 = agg_k(xs, src3d, dst3d, zeros128)

  t = pl.pallas_call(
      _mid_body,
      grid=grid,
      in_specs=[_part_spec(r, d_in), _row_spec(r, d_in), _row_spec(r, d_in),
                _full_spec((d_in, d_hid)), _full_spec((1, d_hid)),
                _full_spec((d_hid, d_out))],
      out_specs=_row_spec(r, d_out),
      out_shape=jax.ShapeDtypeStruct((n, d_out), jnp.float32),
  )(p1, xs, dsb, W1.T, b1.reshape(1, -1), W2.T)

  p2 = agg_k(t, src3d, dst3d, zeros128)

  y = pl.pallas_call(
      _fin_body,
      grid=grid,
      in_specs=[_part_spec(r, d_out), _row_spec(r, d_out), _row_spec(r, d_out),
                _full_spec((1, d_out)), _full_spec((d_out, Wl.shape[0])),
                _full_spec((1, Wl.shape[0]))],
      out_specs=_row_spec(r, Wl.shape[0]),
      out_shape=jax.ShapeDtypeStruct((n, Wl.shape[0]), jnp.float32),
  )(p2, t, dsb, b2.reshape(1, -1), Wl.T, bl.reshape(1, -1))

  return y

# --- scband reference (transcript-rebuilt; emitter-appended) ---
"""Pipeline reference for scband-homo-gnn-74577812128299 (READ-ONLY COPY).

The authoritative reference and input builder live on the scoring server;
editing this copy changes nothing except your own understanding.
"""

import jax, jax.numpy as jnp
import numpy as np

N = 10000
E = 320000
D_IN = 128
D_HID = 256
D_OUT = 128


def setup_inputs(seed: int = 0) -> dict:
    key = jax.random.key(seed)
    ks = jax.random.split(key, 8)
    x = jax.random.normal(ks[0], (N, D_IN), dtype=jnp.float32)
    edge_index = jax.random.randint(ks[1], (2, E), 0, N, dtype=jnp.int32)
    W1 = jax.random.normal(ks[2], (D_HID, D_IN), dtype=jnp.float32) * (1.0 / np.sqrt(D_IN))
    b1 = jnp.zeros((D_HID,), dtype=jnp.float32)
    W2 = jax.random.normal(ks[3], (D_OUT, D_HID), dtype=jnp.float32) * (1.0 / np.sqrt(D_HID))
    b2 = jnp.zeros((D_OUT,), dtype=jnp.float32)
    Wl = jax.random.normal(ks[4], (128, 128), dtype=jnp.float32) * (1.0 / np.sqrt(128))
    bl = jnp.zeros((128,), dtype=jnp.float32)
    return {"x": x, "edge_index": edge_index, "W1": W1, "b1": b1, "W2": W2, "b2": b2, "Wl": Wl, "bl": bl}


def _gcn_conv(x, src, dst, W, b, n_nodes):
    # PyG GCNConv with add_self_loops=True, symmetric normalization
    h = x @ W.T
    deg = jnp.zeros((n_nodes,), dtype=x.dtype).at[dst].add(1.0)
    deg_inv_sqrt = jnp.where(deg > 0, jax.lax.rsqrt(jnp.maximum(deg, 1e-12)), 0.0)
    norm = deg_inv_sqrt[src] * deg_inv_sqrt[dst]
    msg = h[src] * norm[:, None]
    out = jnp.zeros((n_nodes, h.shape[1]), dtype=x.dtype).at[dst].add(msg)
    return out + b


def reference(x, edge_index, W1, b1, W2, b2, Wl, bl):
    n_nodes = x.shape[0]
    loop = jnp.arange(n_nodes, dtype=edge_index.dtype)
    src = jnp.concatenate([edge_index[0], loop])
    dst = jnp.concatenate([edge_index[1], loop])
    h = _gcn_conv(x, src, dst, W1, b1, n_nodes)
    h = jax.nn.relu(h)
    h = _gcn_conv(h, src, dst, W2, b2, n_nodes)
    h = jax.nn.relu(h)
    # dropout is identity in eval/reference mode
    return h @ Wl.T + bl

if __name__ == "__main__":
    import jax
    _d = setup_inputs()
    print(jax.jit(kernel)(*tuple(_d.values())))

</pallas_src>

<mosaic_0001>
#map = affine_map<(d0, d1) -> (0, 0, 0)>
#map1 = affine_map<(d0, d1) -> (0, 0)>
module attributes {stable_mosaic.version = 14 : i64} {
  func.func @deg_kernel(%arg0: i32, %arg1: i32, %arg2: memref<32x79x128xi32, #tpu.memory_space<hbm>>, %arg3: memref<632x128xf32, #tpu.memory_space<hbm>>, %arg4: memref<128x128xf32, #tpu.memory_space<hbm>>, %arg5: memref<2x10112x128xf32, #tpu.memory_space<hbm>>, %arg6: memref<79x128xi32, #tpu.memory_space<vmem>>, %arg7: memref<128x128xf32, #tpu.memory_space<vmem>>, %arg8: memref<10112x128xf32, #tpu.memory_space<vmem_shared>>) attributes {dimension_semantics = [#tpu.dimension_semantics<core_parallel>, #tpu.dimension_semantics<subcore_parallel>], iteration_bounds = array<i64: 2, 16>, scalar_prefetch = 0 : i64, scratch_operands = 3 : i64, tpu.core_type = #tpu.core_type<sc_vector_subcore>, window_params = [{transform_indices = #map}, {transform_indices = #map1}, {transform_indices = #map1}, {transform_indices = #map}]} {
    %mul3A = arith.constant 16 : i32
    %mul3A_0 = arith.muli %arg0, %mul3A : i32
    %add3A = arith.addi %mul3A_0, %arg1 : i32
    "tpu.region"() ({
      %run_scoped3A = tpu.sem_alloc : memref<!tpu.dma_semaphore, #tpu.memory_space<semaphore_mem>>
      %dma_start3A = arith.constant 0 : i32
      %dma_start3A_12 = arith.constant 0 : i32
      %dma_start3A_13 = tpu.memref_slice %arg2[%add3A, %dma_start3A, %dma_start3A_12] : memref<32x79x128xi32, #tpu.memory_space<hbm>> -> memref<1x79x128xi32, #tpu.memory_space<hbm>>
      %dma_start3A_14 = tpu.memref_squeeze %dma_start3A_13 : memref<1x79x128xi32, #tpu.memory_space<hbm>> -> memref<79x128xi32, #tpu.memory_space<hbm>>
      %dma_start3A_15 = arith.constant 0 : i32
      %dma_start3A_16 = arith.constant 0 : i32
      %dma_start3A_17 = tpu.memref_slice %arg2[%add3A, %dma_start3A_15, %dma_start3A_16] : memref<32x79x128xi32, #tpu.memory_space<hbm>> -> memref<1x79x128xi32, #tpu.memory_space<hbm>>
      %dma_start3A_18 = tpu.memref_squeeze %dma_start3A_17 : memref<1x79x128xi32, #tpu.memory_space<hbm>> -> memref<79x128xi32, #tpu.memory_space<hbm>>
      tpu.enqueue_dma source(%dma_start3A_18 : memref<79x128xi32, #tpu.memory_space<hbm>>) target(%arg6 : memref<79x128xi32, #tpu.memory_space<vmem>>) target_semaphore(%run_scoped3A : memref<!tpu.dma_semaphore, #tpu.memory_space<semaphore_mem>>)
      %dma_wait3A = arith.constant 0 : i32
      %dma_wait3A_19 = arith.constant 0 : i32
      %dma_wait3A_20 = tpu.memref_slice %arg2[%add3A, %dma_wait3A, %dma_wait3A_19] : memref<32x79x128xi32, #tpu.memory_space<hbm>> -> memref<1x79x128xi32, #tpu.memory_space<hbm>>
      %dma_wait3A_21 = tpu.memref_squeeze %dma_wait3A_20 : memref<1x79x128xi32, #tpu.memory_space<hbm>> -> memref<79x128xi32, #tpu.memory_space<hbm>>
      %dma_wait3A_22 = arith.constant 0 : i32
      %dma_wait3A_23 = arith.constant 0 : i32
      %dma_wait3A_24 = tpu.memref_slice %arg2[%add3A, %dma_wait3A_22, %dma_wait3A_23] : memref<32x79x128xi32, #tpu.memory_space<hbm>> -> memref<1x79x128xi32, #tpu.memory_space<hbm>>
      %dma_wait3A_25 = tpu.memref_squeeze %dma_wait3A_24 : memref<1x79x128xi32, #tpu.memory_space<hbm>> -> memref<79x128xi32, #tpu.memory_space<hbm>>
      tpu.wait_dma2 semaphore(%run_scoped3A : memref<!tpu.dma_semaphore, #tpu.memory_space<semaphore_mem>>) src(%dma_wait3A_25 : memref<79x128xi32, #tpu.memory_space<hbm>>) dst(%arg6 : memref<79x128xi32, #tpu.memory_space<vmem>>)
      tpu.yield
    }) : () -> ()
    "tpu.region"() ({
      %run_scoped3A = tpu.sem_alloc : memref<!tpu.dma_semaphore, #tpu.memory_space<semaphore_mem>>
      tpu.enqueue_dma source(%arg4 : memref<128x128xf32, #tpu.memory_space<hbm>>) target(%arg7 : memref<128x128xf32, #tpu.memory_space<vmem>>) target_semaphore(%run_scoped3A : memref<!tpu.dma_semaphore, #tpu.memory_space<semaphore_mem>>)
      tpu.wait_dma2 semaphore(%run_scoped3A : memref<!tpu.dma_semaphore, #tpu.memory_space<semaphore_mem>>) src(%arg4 : memref<128x128xf32, #tpu.memory_space<hbm>>) dst(%arg7 : memref<128x128xf32, #tpu.memory_space<vmem>>)
      tpu.yield
    }) : () -> ()
    %mul3A_1 = arith.constant 632 : i32
    %mul3A_2 = arith.muli %arg1, %mul3A_1 : i32
    "tpu.region"() ({
      %run_scoped3A = tpu.sem_alloc : memref<!tpu.dma_semaphore, #tpu.memory_space<semaphore_mem>>
      %dma_start3A = arith.constant 0 : i32
      %dma_start3A_12 = tpu.memref_slice %arg8[%mul3A_2, %dma_start3A] : memref<10112x128xf32, #tpu.memory_space<vmem_shared>> -> memref<632x128xf32, #tpu.memory_space<vmem_shared>>
      tpu.enqueue_dma source(%arg3 : memref<632x128xf32, #tpu.memory_space<hbm>>) target(%dma_start3A_12 : memref<632x128xf32, #tpu.memory_space<vmem_shared>>) target_semaphore(%run_scoped3A : memref<!tpu.dma_semaphore, #tpu.memory_space<semaphore_mem>>)
      %dma_wait3A = arith.constant 0 : i32
      %dma_wait3A_13 = tpu.memref_slice %arg8[%mul3A_2, %dma_wait3A] : memref<10112x128xf32, #tpu.memory_space<vmem_shared>> -> memref<632x128xf32, #tpu.memory_space<vmem_shared>>
      tpu.wait_dma2 semaphore(%run_scoped3A : memref<!tpu.dma_semaphore, #tpu.memory_space<semaphore_mem>>) src(%arg3 : memref<632x128xf32, #tpu.memory_space<hbm>>) dst(%dma_wait3A_13 : memref<632x128xf32, #tpu.memory_space<vmem_shared>>)
      tpu.yield
    }) : () -> ()
    %barrier3A = arith.constant 0 : index
    tpu.barrier barrier_id(%barrier3A)
    %scan3A = arith.constant 0 : i32
    %scan3A_3 = arith.constant 79 : i32
    %scan3A_4 = arith.addi %scan3A, %scan3A_3 : i32
    %scan3A_5 = arith.constant 1 : i32
    scf.for %scan3A_12 = %scan3A to %scan3A_4 step %scan3A_5  : i32 {
      %mul3A_13 = arith.constant 1 : i32
      %mul3A_14 = arith.muli %scan3A_12, %mul3A_13 : i32
      %add3A_15 = arith.constant 0 : i32
      %add3A_16 = arith.addi %add3A_15, %mul3A_14 : i32
      "tpu.region"() ({
        %run_scoped3A = tpu.sem_alloc : memref<!tpu.dma_semaphore, #tpu.memory_space<semaphore_mem>>
        %dma_start3A = arith.constant 0 : i32
        %dma_start3A_17 = tpu.memref_slice %arg6[%add3A_16, %dma_start3A] : memref<79x128xi32, #tpu.memory_space<vmem>> -> memref<1x128xi32, #tpu.memory_space<vmem>>
        %dma_start3A_18 = tpu.memref_squeeze %dma_start3A_17 : memref<1x128xi32, #tpu.memory_space<vmem>> -> memref<128xi32, #tpu.memory_space<vmem>>
        %dma_start3A_19 = arith.constant 0 : i32
        %dma_start3A_20 = arith.constant 0 : i32
        %dma_start3A_21 = tpu.memref_slice %arg8[%dma_start3A_19, %dma_start3A_20] : memref<10112x128xf32, #tpu.memory_space<vmem_shared>> -> memref<10112x128xf32, #tpu.memory_space<vmem_shared>>
        tpu.enqueue_indirect_dma source(%arg7 : memref<128x128xf32, #tpu.memory_space<vmem>>) target(%dma_start3A_21 : memref<10112x128xf32, #tpu.memory_space<vmem_shared>>) offsets(%dma_start3A_18 : memref<128xi32, #tpu.memory_space<vmem>>) semaphore(%run_scoped3A : memref<!tpu.dma_semaphore, #tpu.memory_space<semaphore_mem>>) {add = true}
        %dma_wait3A = arith.constant 0 : i32
        %dma_wait3A_22 = tpu.memref_slice %arg6[%add3A_16, %dma_wait3A] : memref<79x128xi32, #tpu.memory_space<vmem>> -> memref<1x128xi32, #tpu.memory_space<vmem>>
        %dma_wait3A_23 = tpu.memref_squeeze %dma_wait3A_22 : memref<1x128xi32, #tpu.memory_space<vmem>> -> memref<128xi32, #tpu.memory_space<vmem>>
        %dma_wait3A_24 = arith.constant 0 : i32
        %dma_wait3A_25 = arith.constant 0 : i32
        %dma_wait3A_26 = tpu.memref_slice %arg8[%dma_wait3A_24, %dma_wait3A_25] : memref<10112x128xf32, #tpu.memory_space<vmem_shared>> -> memref<10112x128xf32, #tpu.memory_space<vmem_shared>>
        tpu.wait_indirect_dma semaphore(%run_scoped3A : memref<!tpu.dma_semaphore, #tpu.memory_space<semaphore_mem>>) src(%arg7 : memref<128x128xf32, #tpu.memory_space<vmem>>) dst(%dma_wait3A_26 : memref<10112x128xf32, #tpu.memory_space<vmem_shared>>)
        tpu.yield
      }) : () -> ()
    }
    %scan3A_6 = arith.constant 79 : i32
    %barrier3A_7 = arith.constant 0 : index
    tpu.barrier barrier_id(%barrier3A_7)
    %mul3A_8 = arith.constant 632 : i32
    %mul3A_9 = arith.muli %arg1, %mul3A_8 : i32
    %mul3A_10 = arith.constant 632 : i32
    %mul3A_11 = arith.muli %arg1, %mul3A_10 : i32
    "tpu.region"() ({
      %run_scoped3A = tpu.sem_alloc : memref<!tpu.dma_semaphore, #tpu.memory_space<semaphore_mem>>
      %dma_start3A = arith.constant 0 : i32
      %dma_start3A_12 = tpu.memref_slice %arg5[%arg0, %mul3A_11, %dma_start3A] : memref<2x10112x128xf32, #tpu.memory_space<hbm>> -> memref<1x632x128xf32, #tpu.memory_space<hbm>>
      %dma_start3A_13 = tpu.memref_squeeze %dma_start3A_12 : memref<1x632x128xf32, #tpu.memory_space<hbm>> -> memref<632x128xf32, #tpu.memory_space<hbm>>
      %dma_start3A_14 = arith.constant 0 : i32
      %dma_start3A_15 = tpu.memref_slice %arg8[%mul3A_9, %dma_start3A_14] : memref<10112x128xf32, #tpu.memory_space<vmem_shared>> -> memref<632x128xf32, #tpu.memory_space<vmem_shared>>
      tpu.enqueue_dma source(%dma_start3A_15 : memref<632x128xf32, #tpu.memory_space<vmem_shared>>) target(%dma_start3A_13 : memref<632x128xf32, #tpu.memory_space<hbm>>) target_semaphore(%run_scoped3A : memref<!tpu.dma_semaphore, #tpu.memory_space<semaphore_mem>>)
      %dma_wait3A = arith.constant 0 : i32
      %dma_wait3A_16 = tpu.memref_slice %arg5[%arg0, %mul3A_11, %dma_wait3A] : memref<2x10112x128xf32, #tpu.memory_space<hbm>> -> memref<1x632x128xf32, #tpu.memory_space<hbm>>
      %dma_wait3A_17 = tpu.memref_squeeze %dma_wait3A_16 : memref<1x632x128xf32, #tpu.memory_space<hbm>> -> memref<632x128xf32, #tpu.memory_space<hbm>>
      %dma_wait3A_18 = arith.constant 0 : i32
      %dma_wait3A_19 = tpu.memref_slice %arg8[%mul3A_9, %dma_wait3A_18] : memref<10112x128xf32, #tpu.memory_space<vmem_shared>> -> memref<632x128xf32, #tpu.memory_space<vmem_shared>>
      tpu.wait_dma2 semaphore(%run_scoped3A : memref<!tpu.dma_semaphore, #tpu.memory_space<semaphore_mem>>) src(%dma_wait3A_19 : memref<632x128xf32, #tpu.memory_space<vmem_shared>>) dst(%dma_wait3A_17 : memref<632x128xf32, #tpu.memory_space<hbm>>)
      tpu.yield
    }) : () -> ()
    return
  }
}

#map = affine_map<(d0, d1) -> (0, 0)>
#map1 = affine_map<(d0, d1) -> (0, 0, 0)>
module attributes {stable_mosaic.version = 14 : i64} {
  func.func @agg_kernel(%arg0: i32, %arg1: i32, %arg2: memref<10000x128xf32, #tpu.memory_space<hbm>>, %arg3: memref<32x79x128xi32, #tpu.memory_space<hbm>>, %arg4: memref<32x79x128xi32, #tpu.memory_space<hbm>>, %arg5: memref<632x128xf32, #tpu.memory_space<hbm>>, %arg6: memref<2x10112x128xf32, #tpu.memory_space<hbm>>, %arg7: memref<79x128xi32, #tpu.memory_space<vmem>>, %arg8: memref<79x128xi32, #tpu.memory_space<vmem>>, %arg9: memref<128x128xf32, #tpu.memory_space<vmem>>, %arg10: memref<10112x128xf32, #tpu.memory_space<vmem_shared>>, %arg11: memref<!tpu.dma_semaphore, #tpu.memory_space<semaphore_mem>>) attributes {dimension_semantics = [#tpu.dimension_semantics<core_parallel>, #tpu.dimension_semantics<subcore_parallel>], iteration_bounds = array<i64: 2, 16>, scalar_prefetch = 0 : i64, scratch_operands = 5 : i64, tpu.core_type = #tpu.core_type<sc_vector_subcore>, window_params = [{transform_indices = #map}, {transform_indices = #map1}, {transform_indices = #map1}, {transform_indices = #map}, {transform_indices = #map1}]} {
    %mul3A = arith.constant 16 : i32
    %mul3A_0 = arith.muli %arg0, %mul3A : i32
    %add3A = arith.addi %mul3A_0, %arg1 : i32
    "tpu.region"() ({
      %run_scoped3A = tpu.sem_alloc : memref<!tpu.dma_semaphore, #tpu.memory_space<semaphore_mem>>
      %dma_start3A = arith.constant 0 : i32
      %dma_start3A_12 = arith.constant 0 : i32
      %dma_start3A_13 = tpu.memref_slice %arg3[%add3A, %dma_start3A, %dma_start3A_12] : memref<32x79x128xi32, #tpu.memory_space<hbm>> -> memref<1x79x128xi32, #tpu.memory_space<hbm>>
      %dma_start3A_14 = tpu.memref_squeeze %dma_start3A_13 : memref<1x79x128xi32, #tpu.memory_space<hbm>> -> memref<79x128xi32, #tpu.memory_space<hbm>>
      %dma_start3A_15 = arith.constant 0 : i32
      %dma_start3A_16 = arith.constant 0 : i32
      %dma_start3A_17 = tpu.memref_slice %arg3[%add3A, %dma_start3A_15, %dma_start3A_16] : memref<32x79x128xi32, #tpu.memory_space<hbm>> -> memref<1x79x128xi32, #tpu.memory_space<hbm>>
      %dma_start3A_18 = tpu.memref_squeeze %dma_start3A_17 : memref<1x79x128xi32, #tpu.memory_space<hbm>> -> memref<79x128xi32, #tpu.memory_space<hbm>>
      tpu.enqueue_dma source(%dma_start3A_18 : memref<79x128xi32, #tpu.memory_space<hbm>>) target(%arg7 : memref<79x128xi32, #tpu.memory_space<vmem>>) target_semaphore(%run_scoped3A : memref<!tpu.dma_semaphore, #tpu.memory_space<semaphore_mem>>)
      %dma_wait3A = arith.constant 0 : i32
      %dma_wait3A_19 = arith.constant 0 : i32
      %dma_wait3A_20 = tpu.memref_slice %arg3[%add3A, %dma_wait3A, %dma_wait3A_19] : memref<32x79x128xi32, #tpu.memory_space<hbm>> -> memref<1x79x128xi32, #tpu.memory_space<hbm>>
      %dma_wait3A_21 = tpu.memref_squeeze %dma_wait3A_20 : memref<1x79x128xi32, #tpu.memory_space<hbm>> -> memref<79x128xi32, #tpu.memory_space<hbm>>
      %dma_wait3A_22 = arith.constant 0 : i32
      %dma_wait3A_23 = arith.constant 0 : i32
      %dma_wait3A_24 = tpu.memref_slice %arg3[%add3A, %dma_wait3A_22, %dma_wait3A_23] : memref<32x79x128xi32, #tpu.memory_space<hbm>> -> memref<1x79x128xi32, #tpu.memory_space<hbm>>
      %dma_wait3A_25 = tpu.memref_squeeze %dma_wait3A_24 : memref<1x79x128xi32, #tpu.memory_space<hbm>> -> memref<79x128xi32, #tpu.memory_space<hbm>>
      tpu.wait_dma2 semaphore(%run_scoped3A : memref<!tpu.dma_semaphore, #tpu.memory_space<semaphore_mem>>) src(%dma_wait3A_25 : memref<79x128xi32, #tpu.memory_space<hbm>>) dst(%arg7 : memref<79x128xi32, #tpu.memory_space<vmem>>)
      tpu.yield
    }) : () -> ()
    "tpu.region"() ({
      %run_scoped3A = tpu.sem_alloc : memref<!tpu.dma_semaphore, #tpu.memory_space<semaphore_mem>>
      %dma_start3A = arith.constant 0 : i32
      %dma_start3A_12 = arith.constant 0 : i32
      %dma_start3A_13 = tpu.memref_slice %arg4[%add3A, %dma_start3A, %dma_start3A_12] : memref<32x79x128xi32, #tpu.memory_space<hbm>> -> memref<1x79x128xi32, #tpu.memory_space<hbm>>
      %dma_start3A_14 = tpu.memref_squeeze %dma_start3A_13 : memref<1x79x128xi32, #tpu.memory_space<hbm>> -> memref<79x128xi32, #tpu.memory_space<hbm>>
      %dma_start3A_15 = arith.constant 0 : i32
      %dma_start3A_16 = arith.constant 0 : i32
      %dma_start3A_17 = tpu.memref_slice %arg4[%add3A, %dma_start3A_15, %dma_start3A_16] : memref<32x79x128xi32, #tpu.memory_space<hbm>> -> memref<1x79x128xi32, #tpu.memory_space<hbm>>
      %dma_start3A_18 = tpu.memref_squeeze %dma_start3A_17 : memref<1x79x128xi32, #tpu.memory_space<hbm>> -> memref<79x128xi32, #tpu.memory_space<hbm>>
      tpu.enqueue_dma source(%dma_start3A_18 : memref<79x128xi32, #tpu.memory_space<hbm>>) target(%arg8 : memref<79x128xi32, #tpu.memory_space<vmem>>) target_semaphore(%run_scoped3A : memref<!tpu.dma_semaphore, #tpu.memory_space<semaphore_mem>>)
      %dma_wait3A = arith.constant 0 : i32
      %dma_wait3A_19 = arith.constant 0 : i32
      %dma_wait3A_20 = tpu.memref_slice %arg4[%add3A, %dma_wait3A, %dma_wait3A_19] : memref<32x79x128xi32, #tpu.memory_space<hbm>> -> memref<1x79x128xi32, #tpu.memory_space<hbm>>
      %dma_wait3A_21 = tpu.memref_squeeze %dma_wait3A_20 : memref<1x79x128xi32, #tpu.memory_space<hbm>> -> memref<79x128xi32, #tpu.memory_space<hbm>>
      %dma_wait3A_22 = arith.constant 0 : i32
      %dma_wait3A_23 = arith.constant 0 : i32
      %dma_wait3A_24 = tpu.memref_slice %arg4[%add3A, %dma_wait3A_22, %dma_wait3A_23] : memref<32x79x128xi32, #tpu.memory_space<hbm>> -> memref<1x79x128xi32, #tpu.memory_space<hbm>>
      %dma_wait3A_25 = tpu.memref_squeeze %dma_wait3A_24 : memref<1x79x128xi32, #tpu.memory_space<hbm>> -> memref<79x128xi32, #tpu.memory_space<hbm>>
      tpu.wait_dma2 semaphore(%run_scoped3A : memref<!tpu.dma_semaphore, #tpu.memory_space<semaphore_mem>>) src(%dma_wait3A_25 : memref<79x128xi32, #tpu.memory_space<hbm>>) dst(%arg8 : memref<79x128xi32, #tpu.memory_space<vmem>>)
      tpu.yield
    }) : () -> ()
    %mul3A_1 = arith.constant 632 : i32
    %mul3A_2 = arith.muli %arg1, %mul3A_1 : i32
    "tpu.region"() ({
      %run_scoped3A = tpu.sem_alloc : memref<!tpu.dma_semaphore, #tpu.memory_space<semaphore_mem>>
      %dma_start3A = arith.constant 0 : i32
      %dma_start3A_12 = tpu.memref_slice %arg10[%mul3A_2, %dma_start3A] : memref<10112x128xf32, #tpu.memory_space<vmem_shared>> -> memref<632x128xf32, #tpu.memory_space<vmem_shared>>
      tpu.enqueue_dma source(%arg5 : memref<632x128xf32, #tpu.memory_space<hbm>>) target(%dma_start3A_12 : memref<632x128xf32, #tpu.memory_space<vmem_shared>>) target_semaphore(%run_scoped3A : memref<!tpu.dma_semaphore, #tpu.memory_space<semaphore_mem>>)
      %dma_wait3A = arith.constant 0 : i32
      %dma_wait3A_13 = tpu.memref_slice %arg10[%mul3A_2, %dma_wait3A] : memref<10112x128xf32, #tpu.memory_space<vmem_shared>> -> memref<632x128xf32, #tpu.memory_space<vmem_shared>>
      tpu.wait_dma2 semaphore(%run_scoped3A : memref<!tpu.dma_semaphore, #tpu.memory_space<semaphore_mem>>) src(%arg5 : memref<632x128xf32, #tpu.memory_space<hbm>>) dst(%dma_wait3A_13 : memref<632x128xf32, #tpu.memory_space<vmem_shared>>)
      tpu.yield
    }) : () -> ()
    %barrier3A = arith.constant 0 : index
    tpu.barrier barrier_id(%barrier3A)
    %scan3A = arith.constant 0 : i32
    %scan3A_3 = arith.constant 79 : i32
    %scan3A_4 = arith.addi %scan3A, %scan3A_3 : i32
    %scan3A_5 = arith.constant 1 : i32
    scf.for %scan3A_12 = %scan3A to %scan3A_4 step %scan3A_5  : i32 {
      %mul3A_13 = arith.constant 1 : i32
      %mul3A_14 = arith.muli %scan3A_12, %mul3A_13 : i32
      %add3A_15 = arith.constant 0 : i32
      %add3A_16 = arith.addi %add3A_15, %mul3A_14 : i32
      %dma_start3A = arith.constant 0 : i32
      %dma_start3A_17 = tpu.memref_slice %arg7[%add3A_16, %dma_start3A] : memref<79x128xi32, #tpu.memory_space<vmem>> -> memref<1x128xi32, #tpu.memory_space<vmem>>
      %dma_start3A_18 = tpu.memref_squeeze %dma_start3A_17 : memref<1x128xi32, #tpu.memory_space<vmem>> -> memref<128xi32, #tpu.memory_space<vmem>>
      %dma_start3A_19 = arith.constant 0 : i32
      %dma_start3A_20 = arith.constant 0 : i32
      %dma_start3A_21 = tpu.memref_slice %arg2[%dma_start3A_19, %dma_start3A_20] : memref<10000x128xf32, #tpu.memory_space<hbm>> -> memref<10000x128xf32, #tpu.memory_space<hbm>>
      tpu.enqueue_indirect_dma source(%dma_start3A_21 : memref<10000x128xf32, #tpu.memory_space<hbm>>) target(%arg9 : memref<128x128xf32, #tpu.memory_space<vmem>>) offsets(%dma_start3A_18 : memref<128xi32, #tpu.memory_space<vmem>>) semaphore(%arg11 : memref<!tpu.dma_semaphore, #tpu.memory_space<semaphore_mem>>)
      %dma_wait3A = arith.constant 0 : i32
      %dma_wait3A_22 = tpu.memref_slice %arg7[%add3A_16, %dma_wait3A] : memref<79x128xi32, #tpu.memory_space<vmem>> -> memref<1x128xi32, #tpu.memory_space<vmem>>
      %dma_wait3A_23 = tpu.memref_squeeze %dma_wait3A_22 : memref<1x128xi32, #tpu.memory_space<vmem>> -> memref<128xi32, #tpu.memory_space<vmem>>
      %dma_wait3A_24 = arith.constant 0 : i32
      %dma_wait3A_25 = arith.constant 0 : i32
      %dma_wait3A_26 = tpu.memref_slice %arg2[%dma_wait3A_24, %dma_wait3A_25] : memref<10000x128xf32, #tpu.memory_space<hbm>> -> memref<10000x128xf32, #tpu.memory_space<hbm>>
      tpu.wait_indirect_dma semaphore(%arg11 : memref<!tpu.dma_semaphore, #tpu.memory_space<semaphore_mem>>) src(%dma_wait3A_26 : memref<10000x128xf32, #tpu.memory_space<hbm>>) dst(%arg9 : memref<128x128xf32, #tpu.memory_space<vmem>>)
      "tpu.region"() ({
        %run_scoped3A = tpu.sem_alloc : memref<!tpu.dma_semaphore, #tpu.memory_space<semaphore_mem>>
        %dma_start3A_27 = arith.constant 0 : i32
        %dma_start3A_28 = tpu.memref_slice %arg8[%add3A_16, %dma_start3A_27] : memref<79x128xi32, #tpu.memory_space<vmem>> -> memref<1x128xi32, #tpu.memory_space<vmem>>
        %dma_start3A_29 = tpu.memref_squeeze %dma_start3A_28 : memref<1x128xi32, #tpu.memory_space<vmem>> -> memref<128xi32, #tpu.memory_space<vmem>>
        %dma_start3A_30 = arith.constant 0 : i32
        %dma_start3A_31 = arith.constant 0 : i32
        %dma_start3A_32 = tpu.memref_slice %arg10[%dma_start3A_30, %dma_start3A_31] : memref<10112x128xf32, #tpu.memory_space<vmem_shared>> -> memref<10112x128xf32, #tpu.memory_space<vmem_shared>>
        tpu.enqueue_indirect_dma source(%arg9 : memref<128x128xf32, #tpu.memory_space<vmem>>) target(%dma_start3A_32 : memref<10112x128xf32, #tpu.memory_space<vmem_shared>>) offsets(%dma_start3A_29 : memref<128xi32, #tpu.memory_space<vmem>>) semaphore(%run_scoped3A : memref<!tpu.dma_semaphore, #tpu.memory_space<semaphore_mem>>) {add = true}
        %dma_wait3A_33 = arith.constant 0 : i32
        %dma_wait3A_34 = tpu.memref_slice %arg8[%add3A_16, %dma_wait3A_33] : memref<79x128xi32, #tpu.memory_space<vmem>> -> memref<1x128xi32, #tpu.memory_space<vmem>>
        %dma_wait3A_35 = tpu.memref_squeeze %dma_wait3A_34 : memref<1x128xi32, #tpu.memory_space<vmem>> -> memref<128xi32, #tpu.memory_space<vmem>>
        %dma_wait3A_36 = arith.constant 0 : i32
        %dma_wait3A_37 = arith.constant 0 : i32
        %dma_wait3A_38 = tpu.memref_slice %arg10[%dma_wait3A_36, %dma_wait3A_37] : memref<10112x128xf32, #tpu.memory_space<vmem_shared>> -> memref<10112x128xf32, #tpu.memory_space<vmem_shared>>
        tpu.wait_indirect_dma semaphore(%run_scoped3A : memref<!tpu.dma_semaphore, #tpu.memory_space<semaphore_mem>>) src(%arg9 : memref<128x128xf32, #tpu.memory_space<vmem>>) dst(%dma_wait3A_38 : memref<10112x128xf32, #tpu.memory_space<vmem_shared>>)
        tpu.yield
      }) : () -> ()
    }
    %scan3A_6 = arith.constant 79 : i32
    %barrier3A_7 = arith.constant 0 : index
    tpu.barrier barrier_id(%barrier3A_7)
    %mul3A_8 = arith.constant 632 : i32
    %mul3A_9 = arith.muli %arg1, %mul3A_8 : i32
    %mul3A_10 = arith.constant 632 : i32
    %mul3A_11 = arith.muli %arg1, %mul3A_10 : i32
    "tpu.region"() ({
      %run_scoped3A = tpu.sem_alloc : memref<!tpu.dma_semaphore, #tpu.memory_space<semaphore_mem>>
      %dma_start3A = arith.constant 0 : i32
      %dma_start3A_12 = tpu.memref_slice %arg6[%arg0, %mul3A_11, %dma_start3A] : memref<2x10112x128xf32, #tpu.memory_space<hbm>> -> memref<1x632x128xf32, #tpu.memory_space<hbm>>
      %dma_start3A_13 = tpu.memref_squeeze %dma_start3A_12 : memref<1x632x128xf32, #tpu.memory_space<hbm>> -> memref<632x128xf32, #tpu.memory_space<hbm>>
      %dma_start3A_14 = arith.constant 0 : i32
      %dma_start3A_15 = tpu.memref_slice %arg10[%mul3A_9, %dma_start3A_14] : memref<10112x128xf32, #tpu.memory_space<vmem_shared>> -> memref<632x128xf32, #tpu.memory_space<vmem_shared>>
      tpu.enqueue_dma source(%dma_start3A_15 : memref<632x128xf32, #tpu.memory_space<vmem_shared>>) target(%dma_start3A_13 : memref<632x128xf32, #tpu.memory_space<hbm>>) target_semaphore(%run_scoped3A : memref<!tpu.dma_semaphore, #tpu.memory_space<semaphore_mem>>)
      %dma_wait3A = arith.constant 0 : i32
      %dma_wait3A_16 = tpu.memref_slice %arg6[%arg0, %mul3A_11, %dma_wait3A] : memref<2x10112x128xf32, #tpu.memory_space<hbm>> -> memref<1x632x128xf32, #tpu.memory_space<hbm>>
      %dma_wait3A_17 = tpu.memref_squeeze %dma_wait3A_16 : memref<1x632x128xf32, #tpu.memory_space<hbm>> -> memref<632x128xf32, #tpu.memory_space<hbm>>
      %dma_wait3A_18 = arith.constant 0 : i32
      %dma_wait3A_19 = tpu.memref_slice %arg10[%mul3A_9, %dma_wait3A_18] : memref<10112x128xf32, #tpu.memory_space<vmem_shared>> -> memref<632x128xf32, #tpu.memory_space<vmem_shared>>
      tpu.wait_dma2 semaphore(%run_scoped3A : memref<!tpu.dma_semaphore, #tpu.memory_space<semaphore_mem>>) src(%dma_wait3A_19 : memref<632x128xf32, #tpu.memory_space<vmem_shared>>) dst(%dma_wait3A_17 : memref<632x128xf32, #tpu.memory_space<hbm>>)
      tpu.yield
    }) : () -> ()
    return
  }
}

#map = affine_map<(d0, d1) -> (0, 0)>
#map1 = affine_map<(d0, d1) -> (0, 0, 0)>
module attributes {stable_mosaic.version = 14 : i64} {
  func.func @agg_kernel(%arg0: i32, %arg1: i32, %arg2: memref<10000x128xf32, #tpu.memory_space<hbm>>, %arg3: memref<32x79x128xi32, #tpu.memory_space<hbm>>, %arg4: memref<32x79x128xi32, #tpu.memory_space<hbm>>, %arg5: memref<632x128xf32, #tpu.memory_space<hbm>>, %arg6: memref<2x10112x128xf32, #tpu.memory_space<hbm>>, %arg7: memref<79x128xi32, #tpu.memory_space<vmem>>, %arg8: memref<79x128xi32, #tpu.memory_space<vmem>>, %arg9: memref<128x128xf32, #tpu.memory_space<vmem>>, %arg10: memref<10112x128xf32, #tpu.memory_space<vmem_shared>>, %arg11: memref<!tpu.dma_semaphore, #tpu.memory_space<semaphore_mem>>) attributes {dimension_semantics = [#tpu.dimension_semantics<core_parallel>, #tpu.dimension_semantics<subcore_parallel>], iteration_bounds = array<i64: 2, 16>, scalar_prefetch = 0 : i64, scratch_operands = 5 : i64, tpu.core_type = #tpu.core_type<sc_vector_subcore>, window_params = [{transform_indices = #map}, {transform_indices = #map1}, {transform_indices = #map1}, {transform_indices = #map}, {transform_indices = #map1}]} {
    %mul3A = arith.constant 16 : i32
    %mul3A_0 = arith.muli %arg0, %mul3A : i32
    %add3A = arith.addi %mul3A_0, %arg1 : i32
    "tpu.region"() ({
      %run_scoped3A = tpu.sem_alloc : memref<!tpu.dma_semaphore, #tpu.memory_space<semaphore_mem>>
      %dma_start3A = arith.constant 0 : i32
      %dma_start3A_12 = arith.constant 0 : i32
      %dma_start3A_13 = tpu.memref_slice %arg3[%add3A, %dma_start3A, %dma_start3A_12] : memref<32x79x128xi32, #tpu.memory_space<hbm>> -> memref<1x79x128xi32, #tpu.memory_space<hbm>>
      %dma_start3A_14 = tpu.memref_squeeze %dma_start3A_13 : memref<1x79x128xi32, #tpu.memory_space<hbm>> -> memref<79x128xi32, #tpu.memory_space<hbm>>
      %dma_start3A_15 = arith.constant 0 : i32
      %dma_start3A_16 = arith.constant 0 : i32
      %dma_start3A_17 = tpu.memref_slice %arg3[%add3A, %dma_start3A_15, %dma_start3A_16] : memref<32x79x128xi32, #tpu.memory_space<hbm>> -> memref<1x79x128xi32, #tpu.memory_space<hbm>>
      %dma_start3A_18 = tpu.memref_squeeze %dma_start3A_17 : memref<1x79x128xi32, #tpu.memory_space<hbm>> -> memref<79x128xi32, #tpu.memory_space<hbm>>
      tpu.enqueue_dma source(%dma_start3A_18 : memref<79x128xi32, #tpu.memory_space<hbm>>) target(%arg7 : memref<79x128xi32, #tpu.memory_space<vmem>>) target_semaphore(%run_scoped3A : memref<!tpu.dma_semaphore, #tpu.memory_space<semaphore_mem>>)
      %dma_wait3A = arith.constant 0 : i32
      %dma_wait3A_19 = arith.constant 0 : i32
      %dma_wait3A_20 = tpu.memref_slice %arg3[%add3A, %dma_wait3A, %dma_wait3A_19] : memref<32x79x128xi32, #tpu.memory_space<hbm>> -> memref<1x79x128xi32, #tpu.memory_space<hbm>>
      %dma_wait3A_21 = tpu.memref_squeeze %dma_wait3A_20 : memref<1x79x128xi32, #tpu.memory_space<hbm>> -> memref<79x128xi32, #tpu.memory_space<hbm>>
      %dma_wait3A_22 = arith.constant 0 : i32
      %dma_wait3A_23 = arith.constant 0 : i32
      %dma_wait3A_24 = tpu.memref_slice %arg3[%add3A, %dma_wait3A_22, %dma_wait3A_23] : memref<32x79x128xi32, #tpu.memory_space<hbm>> -> memref<1x79x128xi32, #tpu.memory_space<hbm>>
      %dma_wait3A_25 = tpu.memref_squeeze %dma_wait3A_24 : memref<1x79x128xi32, #tpu.memory_space<hbm>> -> memref<79x128xi32, #tpu.memory_space<hbm>>
      tpu.wait_dma2 semaphore(%run_scoped3A : memref<!tpu.dma_semaphore, #tpu.memory_space<semaphore_mem>>) src(%dma_wait3A_25 : memref<79x128xi32, #tpu.memory_space<hbm>>) dst(%arg7 : memref<79x128xi32, #tpu.memory_space<vmem>>)
      tpu.yield
    }) : () -> ()
    "tpu.region"() ({
      %run_scoped3A = tpu.sem_alloc : memref<!tpu.dma_semaphore, #tpu.memory_space<semaphore_mem>>
      %dma_start3A = arith.constant 0 : i32
      %dma_start3A_12 = arith.constant 0 : i32
      %dma_start3A_13 = tpu.memref_slice %arg4[%add3A, %dma_start3A, %dma_start3A_12] : memref<32x79x128xi32, #tpu.memory_space<hbm>> -> memref<1x79x128xi32, #tpu.memory_space<hbm>>
      %dma_start3A_14 = tpu.memref_squeeze %dma_start3A_13 : memref<1x79x128xi32, #tpu.memory_space<hbm>> -> memref<79x128xi32, #tpu.memory_space<hbm>>
      %dma_start3A_15 = arith.constant 0 : i32
      %dma_start3A_16 = arith.constant 0 : i32
      %dma_start3A_17 = tpu.memref_slice %arg4[%add3A, %dma_start3A_15, %dma_start3A_16] : memref<32x79x128xi32, #tpu.memory_space<hbm>> -> memref<1x79x128xi32, #tpu.memory_space<hbm>>
      %dma_start3A_18 = tpu.memref_squeeze %dma_start3A_17 : memref<1x79x128xi32, #tpu.memory_space<hbm>> -> memref<79x128xi32, #tpu.memory_space<hbm>>
      tpu.enqueue_dma source(%dma_start3A_18 : memref<79x128xi32, #tpu.memory_space<hbm>>) target(%arg8 : memref<79x128xi32, #tpu.memory_space<vmem>>) target_semaphore(%run_scoped3A : memref<!tpu.dma_semaphore, #tpu.memory_space<semaphore_mem>>)
      %dma_wait3A = arith.constant 0 : i32
      %dma_wait3A_19 = arith.constant 0 : i32
      %dma_wait3A_20 = tpu.memref_slice %arg4[%add3A, %dma_wait3A, %dma_wait3A_19] : memref<32x79x128xi32, #tpu.memory_space<hbm>> -> memref<1x79x128xi32, #tpu.memory_space<hbm>>
      %dma_wait3A_21 = tpu.memref_squeeze %dma_wait3A_20 : memref<1x79x128xi32, #tpu.memory_space<hbm>> -> memref<79x128xi32, #tpu.memory_space<hbm>>
      %dma_wait3A_22 = arith.constant 0 : i32
      %dma_wait3A_23 = arith.constant 0 : i32
      %dma_wait3A_24 = tpu.memref_slice %arg4[%add3A, %dma_wait3A_22, %dma_wait3A_23] : memref<32x79x128xi32, #tpu.memory_space<hbm>> -> memref<1x79x128xi32, #tpu.memory_space<hbm>>
      %dma_wait3A_25 = tpu.memref_squeeze %dma_wait3A_24 : memref<1x79x128xi32, #tpu.memory_space<hbm>> -> memref<79x128xi32, #tpu.memory_space<hbm>>
      tpu.wait_dma2 semaphore(%run_scoped3A : memref<!tpu.dma_semaphore, #tpu.memory_space<semaphore_mem>>) src(%dma_wait3A_25 : memref<79x128xi32, #tpu.memory_space<hbm>>) dst(%arg8 : memref<79x128xi32, #tpu.memory_space<vmem>>)
      tpu.yield
    }) : () -> ()
    %mul3A_1 = arith.constant 632 : i32
    %mul3A_2 = arith.muli %arg1, %mul3A_1 : i32
    "tpu.region"() ({
      %run_scoped3A = tpu.sem_alloc : memref<!tpu.dma_semaphore, #tpu.memory_space<semaphore_mem>>
      %dma_start3A = arith.constant 0 : i32
      %dma_start3A_12 = tpu.memref_slice %arg10[%mul3A_2, %dma_start3A] : memref<10112x128xf32, #tpu.memory_space<vmem_shared>> -> memref<632x128xf32, #tpu.memory_space<vmem_shared>>
      tpu.enqueue_dma source(%arg5 : memref<632x128xf32, #tpu.memory_space<hbm>>) target(%dma_start3A_12 : memref<632x128xf32, #tpu.memory_space<vmem_shared>>) target_semaphore(%run_scoped3A : memref<!tpu.dma_semaphore, #tpu.memory_space<semaphore_mem>>)
      %dma_wait3A = arith.constant 0 : i32
      %dma_wait3A_13 = tpu.memref_slice %arg10[%mul3A_2, %dma_wait3A] : memref<10112x128xf32, #tpu.memory_space<vmem_shared>> -> memref<632x128xf32, #tpu.memory_space<vmem_shared>>
      tpu.wait_dma2 semaphore(%run_scoped3A : memref<!tpu.dma_semaphore, #tpu.memory_space<semaphore_mem>>) src(%arg5 : memref<632x128xf32, #tpu.memory_space<hbm>>) dst(%dma_wait3A_13 : memref<632x128xf32, #tpu.memory_space<vmem_shared>>)
      tpu.yield
    }) : () -> ()
    %barrier3A = arith.constant 0 : index
    tpu.barrier barrier_id(%barrier3A)
    %scan3A = arith.constant 0 : i32
    %scan3A_3 = arith.constant 79 : i32
    %scan3A_4 = arith.addi %scan3A, %scan3A_3 : i32
    %scan3A_5 = arith.constant 1 : i32
    scf.for %scan3A_12 = %scan3A to %scan3A_4 step %scan3A_5  : i32 {
      %mul3A_13 = arith.constant 1 : i32
      %mul3A_14 = arith.muli %scan3A_12, %mul3A_13 : i32
      %add3A_15 = arith.constant 0 : i32
      %add3A_16 = arith.addi %add3A_15, %mul3A_14 : i32
      %dma_start3A = arith.constant 0 : i32
      %dma_start3A_17 = tpu.memref_slice %arg7[%add3A_16, %dma_start3A] : memref<79x128xi32, #tpu.memory_space<vmem>> -> memref<1x128xi32, #tpu.memory_space<vmem>>
      %dma_start3A_18 = tpu.memref_squeeze %dma_start3A_17 : memref<1x128xi32, #tpu.memory_space<vmem>> -> memref<128xi32, #tpu.memory_space<vmem>>
      %dma_start3A_19 = arith.constant 0 : i32
      %dma_start3A_20 = arith.constant 0 : i32
      %dma_start3A_21 = tpu.memref_slice %arg2[%dma_start3A_19, %dma_start3A_20] : memref<10000x128xf32, #tpu.memory_space<hbm>> -> memref<10000x128xf32, #tpu.memory_space<hbm>>
      tpu.enqueue_indirect_dma source(%dma_start3A_21 : memref<10000x128xf32, #tpu.memory_space<hbm>>) target(%arg9 : memref<128x128xf32, #tpu.memory_space<vmem>>) offsets(%dma_start3A_18 : memref<128xi32, #tpu.memory_space<vmem>>) semaphore(%arg11 : memref<!tpu.dma_semaphore, #tpu.memory_space<semaphore_mem>>)
      %dma_wait3A = arith.constant 0 : i32
      %dma_wait3A_22 = tpu.memref_slice %arg7[%add3A_16, %dma_wait3A] : memref<79x128xi32, #tpu.memory_space<vmem>> -> memref<1x128xi32, #tpu.memory_space<vmem>>
      %dma_wait3A_23 = tpu.memref_squeeze %dma_wait3A_22 : memref<1x128xi32, #tpu.memory_space<vmem>> -> memref<128xi32, #tpu.memory_space<vmem>>
      %dma_wait3A_24 = arith.constant 0 : i32
      %dma_wait3A_25 = arith.constant 0 : i32
      %dma_wait3A_26 = tpu.memref_slice %arg2[%dma_wait3A_24, %dma_wait3A_25] : memref<10000x128xf32, #tpu.memory_space<hbm>> -> memref<10000x128xf32, #tpu.memory_space<hbm>>
      tpu.wait_indirect_dma semaphore(%arg11 : memref<!tpu.dma_semaphore, #tpu.memory_space<semaphore_mem>>) src(%dma_wait3A_26 : memref<10000x128xf32, #tpu.memory_space<hbm>>) dst(%arg9 : memref<128x128xf32, #tpu.memory_space<vmem>>)
      "tpu.region"() ({
        %run_scoped3A = tpu.sem_alloc : memref<!tpu.dma_semaphore, #tpu.memory_space<semaphore_mem>>
        %dma_start3A_27 = arith.constant 0 : i32
        %dma_start3A_28 = tpu.memref_slice %arg8[%add3A_16, %dma_start3A_27] : memref<79x128xi32, #tpu.memory_space<vmem>> -> memref<1x128xi32, #tpu.memory_space<vmem>>
        %dma_start3A_29 = tpu.memref_squeeze %dma_start3A_28 : memref<1x128xi32, #tpu.memory_space<vmem>> -> memref<128xi32, #tpu.memory_space<vmem>>
        %dma_start3A_30 = arith.constant 0 : i32
        %dma_start3A_31 = arith.constant 0 : i32
        %dma_start3A_32 = tpu.memref_slice %arg10[%dma_start3A_30, %dma_start3A_31] : memref<10112x128xf32, #tpu.memory_space<vmem_shared>> -> memref<10112x128xf32, #tpu.memory_space<vmem_shared>>
        tpu.enqueue_indirect_dma source(%arg9 : memref<128x128xf32, #tpu.memory_space<vmem>>) target(%dma_start3A_32 : memref<10112x128xf32, #tpu.memory_space<vmem_shared>>) offsets(%dma_start3A_29 : memref<128xi32, #tpu.memory_space<vmem>>) semaphore(%run_scoped3A : memref<!tpu.dma_semaphore, #tpu.memory_space<semaphore_mem>>) {add = true}
        %dma_wait3A_33 = arith.constant 0 : i32
        %dma_wait3A_34 = tpu.memref_slice %arg8[%add3A_16, %dma_wait3A_33] : memref<79x128xi32, #tpu.memory_space<vmem>> -> memref<1x128xi32, #tpu.memory_space<vmem>>
        %dma_wait3A_35 = tpu.memref_squeeze %dma_wait3A_34 : memref<1x128xi32, #tpu.memory_space<vmem>> -> memref<128xi32, #tpu.memory_space<vmem>>
        %dma_wait3A_36 = arith.constant 0 : i32
        %dma_wait3A_37 = arith.constant 0 : i32
        %dma_wait3A_38 = tpu.memref_slice %arg10[%dma_wait3A_36, %dma_wait3A_37] : memref<10112x128xf32, #tpu.memory_space<vmem_shared>> -> memref<10112x128xf32, #tpu.memory_space<vmem_shared>>
        tpu.wait_indirect_dma semaphore(%run_scoped3A : memref<!tpu.dma_semaphore, #tpu.memory_space<semaphore_mem>>) src(%arg9 : memref<128x128xf32, #tpu.memory_space<vmem>>) dst(%dma_wait3A_38 : memref<10112x128xf32, #tpu.memory_space<vmem_shared>>)
        tpu.yield
      }) : () -> ()
    }
    %scan3A_6 = arith.constant 79 : i32
    %barrier3A_7 = arith.constant 0 : index
    tpu.barrier barrier_id(%barrier3A_7)
    %mul3A_8 = arith.constant 632 : i32
    %mul3A_9 = arith.muli %arg1, %mul3A_8 : i32
    %mul3A_10 = arith.constant 632 : i32
    %mul3A_11 = arith.muli %arg1, %mul3A_10 : i32
    "tpu.region"() ({
      %run_scoped3A = tpu.sem_alloc : memref<!tpu.dma_semaphore, #tpu.memory_space<semaphore_mem>>
      %dma_start3A = arith.constant 0 : i32
      %dma_start3A_12 = tpu.memref_slice %arg6[%arg0, %mul3A_11, %dma_start3A] : memref<2x10112x128xf32, #tpu.memory_space<hbm>> -> memref<1x632x128xf32, #tpu.memory_space<hbm>>
      %dma_start3A_13 = tpu.memref_squeeze %dma_start3A_12 : memref<1x632x128xf32, #tpu.memory_space<hbm>> -> memref<632x128xf32, #tpu.memory_space<hbm>>
      %dma_start3A_14 = arith.constant 0 : i32
      %dma_start3A_15 = tpu.memref_slice %arg10[%mul3A_9, %dma_start3A_14] : memref<10112x128xf32, #tpu.memory_space<vmem_shared>> -> memref<632x128xf32, #tpu.memory_space<vmem_shared>>
      tpu.enqueue_dma source(%dma_start3A_15 : memref<632x128xf32, #tpu.memory_space<vmem_shared>>) target(%dma_start3A_13 : memref<632x128xf32, #tpu.memory_space<hbm>>) target_semaphore(%run_scoped3A : memref<!tpu.dma_semaphore, #tpu.memory_space<semaphore_mem>>)
      %dma_wait3A = arith.constant 0 : i32
      %dma_wait3A_16 = tpu.memref_slice %arg6[%arg0, %mul3A_11, %dma_wait3A] : memref<2x10112x128xf32, #tpu.memory_space<hbm>> -> memref<1x632x128xf32, #tpu.memory_space<hbm>>
      %dma_wait3A_17 = tpu.memref_squeeze %dma_wait3A_16 : memref<1x632x128xf32, #tpu.memory_space<hbm>> -> memref<632x128xf32, #tpu.memory_space<hbm>>
      %dma_wait3A_18 = arith.constant 0 : i32
      %dma_wait3A_19 = tpu.memref_slice %arg10[%mul3A_9, %dma_wait3A_18] : memref<10112x128xf32, #tpu.memory_space<vmem_shared>> -> memref<632x128xf32, #tpu.memory_space<vmem_shared>>
      tpu.wait_dma2 semaphore(%run_scoped3A : memref<!tpu.dma_semaphore, #tpu.memory_space<semaphore_mem>>) src(%dma_wait3A_19 : memref<632x128xf32, #tpu.memory_space<vmem_shared>>) dst(%dma_wait3A_17 : memref<632x128xf32, #tpu.memory_space<hbm>>)
      tpu.yield
    }) : () -> ()
    return
  }
}

module attributes {stable_mosaic.version = 14 : i64} {
  func.func @_prep_body(%arg0: i32, %arg1: memref<2x1000x128xf32, #tpu.memory_space<vmem>>, %arg2: memref<1000x128xf32, #tpu.memory_space<vmem>>, %arg3: memref<1000x128xf32, #tpu.memory_space<vmem>>, %arg4: memref<1000x128xf32, #tpu.memory_space<vmem>>) attributes {dimension_semantics = [#tpu.dimension_semantics<arbitrary>], iteration_bounds = array<i64: 10>, scalar_prefetch = 0 : i64, scratch_operands = 0 : i64, tpu.core_type = #tpu.core_type<tc>, window_params = [{transform_indices = @transform_0, window_bounds = array<i64: 2, 1000, 128>}, {transform_indices = @transform_1, window_bounds = array<i64: 1000, 128>}, {transform_indices = @transform_2, window_bounds = array<i64: 1000, 128>}, {transform_indices = @transform_3, window_bounds = array<i64: 1000, 128>}]} {
    %get3A = arith.constant 0 : index
    %get3A_0 = arith.constant 0 : index
    %get3A_1 = arith.constant 0 : index
    %get3A_2 = vector.load %arg1[%get3A, %get3A_0, %get3A_1] : memref<2x1000x128xf32, #tpu.memory_space<vmem>>, vector<1x1000x1xf32>
    %get3A_3 = vector.shape_cast %get3A_2 : vector<1x1000x1xf32> to vector<1000x1xf32>
    %get3A_4 = arith.constant 1 : index
    %get3A_5 = arith.constant 0 : index
    %get3A_6 = arith.constant 0 : index
    %get3A_7 = vector.load %arg1[%get3A_4, %get3A_5, %get3A_6] : memref<2x1000x128xf32, #tpu.memory_space<vmem>>, vector<1x1000x1xf32>
    %get3A_8 = vector.shape_cast %get3A_7 : vector<1x1000x1xf32> to vector<1000x1xf32>
    %add3A = arith.addf %get3A_3, %get3A_8 : vector<1000x1xf32>
    %add3A_9 = arith.constant 1.000000e+00 : f32
    %add3A_10 = vector.broadcast %add3A_9 : f32 to vector<1000x1xf32>
    %add3A_11 = arith.addf %add3A, %add3A_10 : vector<1000x1xf32>
    %rsqrt3A = math.rsqrt %add3A_11 : vector<1000x1xf32>
    %broadcast_in_dim3A = vector.shape_cast %rsqrt3A : vector<1000x1xf32> to vector<1000x1xf32>
    %broadcast_in_dim3A_12 = vector.broadcast %broadcast_in_dim3A : vector<1000x1xf32> to vector<1000x128xf32>
    %swap3A = arith.constant 0 : index
    %swap3A_13 = arith.constant 0 : index
    %swap3A_14 = vector.load %arg4[%swap3A, %swap3A_13] : memref<1000x128xf32, #tpu.memory_space<vmem>>, vector<1000x128xf32>
    tpu.vector_store %arg4[%swap3A, %swap3A_13], %broadcast_in_dim3A_12 {strides = array<i32>} : memref<1000x128xf32, #tpu.memory_space<vmem>>, vector<1000x128xf32>,
    %get3A_15 = arith.constant 0 : index
    %get3A_16 = arith.constant 0 : index
    %get3A_17 = vector.load %arg2[%get3A_15, %get3A_16] : memref<1000x128xf32, #tpu.memory_space<vmem>>, vector<1000x128xf32>
    %mul3A = arith.mulf %get3A_17, %broadcast_in_dim3A_12 : vector<1000x128xf32>
    %swap3A_18 = arith.constant 0 : index
    %swap3A_19 = arith.constant 0 : index
    %swap3A_20 = vector.load %arg3[%swap3A_18, %swap3A_19] : memref<1000x128xf32, #tpu.memory_space<vmem>>, vector<1000x128xf32>
    tpu.vector_store %arg3[%swap3A_18, %swap3A_19], %mul3A {strides = array<i32>} : memref<1000x128xf32, #tpu.memory_space<vmem>>, vector<1000x128xf32>,
    return
  }
  func.func @transform_0(%arg0: i32) -> (i32, i32, i32) {
    %c0_i32 = arith.constant 0 : i32
    %c0_i32_0 = arith.constant 0 : i32
    %c0_i32_1 = arith.constant 0 : i32
    return %c0_i32, %arg0, %c0_i32_0 : i32, i32, i32
  }
  func.func @transform_1(%arg0: i32) -> (i32, i32) {
    %c0_i32 = arith.constant 0 : i32
    %c0_i32_0 = arith.constant 0 : i32
    return %arg0, %c0_i32 : i32, i32
  }
  func.func @transform_2(%arg0: i32) -> (i32, i32) {
    %c0_i32 = arith.constant 0 : i32
    %c0_i32_0 = arith.constant 0 : i32
    return %arg0, %c0_i32 : i32, i32
  }
  func.func @transform_3(%arg0: i32) -> (i32, i32) {
    %c0_i32 = arith.constant 0 : i32
    %c0_i32_0 = arith.constant 0 : i32
    return %arg0, %c0_i32 : i32, i32
  }
}

module attributes {stable_mosaic.version = 14 : i64} {
  func.func @_mid_body(%arg0: i32, %arg1: memref<2x1000x128xf32, #tpu.memory_space<vmem>>, %arg2: memref<1000x128xf32, #tpu.memory_space<vmem>>, %arg3: memref<1000x128xf32, #tpu.memory_space<vmem>>, %arg4: memref<128x256xf32, #tpu.memory_space<vmem>>, %arg5: memref<1x256xf32, #tpu.memory_space<vmem>>, %arg6: memref<256x128xf32, #tpu.memory_space<vmem>>, %arg7: memref<1000x128xf32, #tpu.memory_space<vmem>>) attributes {dimension_semantics = [#tpu.dimension_semantics<arbitrary>], iteration_bounds = array<i64: 10>, scalar_prefetch = 0 : i64, scratch_operands = 0 : i64, tpu.core_type = #tpu.core_type<tc>, window_params = [{transform_indices = @transform_0, window_bounds = array<i64: 2, 1000, 128>}, {transform_indices = @transform_1, window_bounds = array<i64: 1000, 128>}, {transform_indices = @transform_2, window_bounds = array<i64: 1000, 128>}, {pipeline_mode = #tpu.pipeline_mode<synchronous>, transform_indices = @transform_3, window_bounds = array<i64: 128, 256>}, {pipeline_mode = #tpu.pipeline_mode<synchronous>, transform_indices = @transform_4, window_bounds = array<i64: 1, 256>}, {pipeline_mode = #tpu.pipeline_mode<synchronous>, transform_indices = @transform_5, window_bounds = array<i64: 256, 128>}, {transform_indices = @transform_6, window_bounds = array<i64: 1000, 128>}]} {
    %get3A = arith.constant 0 : index
    %get3A_0 = arith.constant 0 : index
    %get3A_1 = arith.constant 0 : index
    %get3A_2 = vector.load %arg1[%get3A, %get3A_0, %get3A_1] : memref<2x1000x128xf32, #tpu.memory_space<vmem>>, vector<1x1000x128xf32>
    %get3A_3 = vector.shape_cast %get3A_2 : vector<1x1000x128xf32> to vector<1000x128xf32>
    %get3A_4 = arith.constant 1 : index
    %get3A_5 = arith.constant 0 : index
    %get3A_6 = arith.constant 0 : index
    %get3A_7 = vector.load %arg1[%get3A_4, %get3A_5, %get3A_6] : memref<2x1000x128xf32, #tpu.memory_space<vmem>>, vector<1x1000x128xf32>
    %get3A_8 = vector.shape_cast %get3A_7 : vector<1x1000x128xf32> to vector<1000x128xf32>
    %add3A = arith.addf %get3A_3, %get3A_8 : vector<1000x128xf32>
    %get3A_9 = arith.constant 0 : index
    %get3A_10 = arith.constant 0 : index
    %get3A_11 = vector.load %arg2[%get3A_9, %get3A_10] : memref<1000x128xf32, #tpu.memory_space<vmem>>, vector<1000x128xf32>
    %add3A_12 = arith.addf %add3A, %get3A_11 : vector<1000x128xf32>
    %get3A_13 = arith.constant 0 : index
    %get3A_14 = arith.constant 0 : index
    %get3A_15 = vector.load %arg3[%get3A_13, %get3A_14] : memref<1000x128xf32, #tpu.memory_space<vmem>>, vector<1000x128xf32>
    %mul3A = arith.mulf %add3A_12, %get3A_15 : vector<1000x128xf32>
    %get3A_16 = arith.constant 0 : index
    %get3A_17 = arith.constant 0 : index
    %get3A_18 = vector.load %arg4[%get3A_16, %get3A_17] : memref<128x256xf32, #tpu.memory_space<vmem>>, vector<128x256xf32>
    %dot_general3A = arith.constant dense<0.000000e+00> : vector<1000x256xf32>
    %dot_general3A_19 = tpu.matmul %mul3A, %get3A_18, %dot_general3A {dimension_numbers = #tpu.dot_dimension_numbers<[1], [0], [0], [1], [0, 0, 1, 1], [], []>, transpose_lhs_hint = false} : vector<1000x128xf32>, vector<128x256xf32>, vector<1000x256xf32> -> vector<1000x256xf32>
    %get3A_20 = arith.constant 0 : index
    %get3A_21 = arith.constant 0 : index
    %get3A_22 = vector.load %arg5[%get3A_20, %get3A_21] : memref<1x256xf32, #tpu.memory_space<vmem>>, vector<1x256xf32>
    %add3A_23 = vector.broadcast %get3A_22 : vector<1x256xf32> to vector<1000x256xf32>
    %add3A_24 = arith.addf %dot_general3A_19, %add3A_23 : vector<1000x256xf32>
    %max3A = arith.constant 0.000000e+00 : f32
    %max3A_25 = vector.broadcast %max3A : f32 to vector<1000x256xf32>
    %max3A_26 = arith.maximumf %add3A_24, %max3A_25 : vector<1000x256xf32>
    %get3A_27 = arith.constant 0 : index
    %get3A_28 = arith.constant 0 : index
    %get3A_29 = vector.load %arg6[%get3A_27, %get3A_28] : memref<256x128xf32, #tpu.memory_space<vmem>>, vector<256x128xf32>
    %dot_general3A_30 = arith.constant dense<0.000000e+00> : vector<1000x128xf32>
    %dot_general3A_31 = tpu.matmul %max3A_26, %get3A_29, %dot_general3A_30 {dimension_numbers = #tpu.dot_dimension_numbers<[1], [0], [0], [1], [0, 0, 1, 1], [], []>, transpose_lhs_hint = false} : vector<1000x256xf32>, vector<256x128xf32>, vector<1000x128xf32> -> vector<1000x128xf32>
    %get3A_32 = arith.constant 0 : index
    %get3A_33 = arith.constant 0 : index
    %get3A_34 = vector.load %arg3[%get3A_32, %get3A_33] : memref<1000x128xf32, #tpu.memory_space<vmem>>, vector<1000x128xf32>
    %mul3A_35 = arith.mulf %dot_general3A_31, %get3A_34 : vector<1000x128xf32>
    %swap3A = arith.constant 0 : index
    %swap3A_36 = arith.constant 0 : index
    %swap3A_37 = vector.load %arg7[%swap3A, %swap3A_36] : memref<1000x128xf32, #tpu.memory_space<vmem>>, vector<1000x128xf32>
    tpu.vector_store %arg7[%swap3A, %swap3A_36], %mul3A_35 {strides = array<i32>} : memref<1000x128xf32, #tpu.memory_space<vmem>>, vector<1000x128xf32>,
    return
  }
  func.func @transform_0(%arg0: i32) -> (i32, i32, i32) {
    %c0_i32 = arith.constant 0 : i32
    %c0_i32_0 = arith.constant 0 : i32
    %c0_i32_1 = arith.constant 0 : i32
    return %c0_i32, %arg0, %c0_i32_0 : i32, i32, i32
  }
  func.func @transform_1(%arg0: i32) -> (i32, i32) {
    %c0_i32 = arith.constant 0 : i32
    %c0_i32_0 = arith.constant 0 : i32
    return %arg0, %c0_i32 : i32, i32
  }
  func.func @transform_2(%arg0: i32) -> (i32, i32) {
    %c0_i32 = arith.constant 0 : i32
    %c0_i32_0 = arith.constant 0 : i32
    return %arg0, %c0_i32 : i32, i32
  }
  func.func @transform_3(%arg0: i32) -> (i32, i32) {
    %c0_i32 = arith.constant 0 : i32
    %c0_i32_0 = arith.constant 0 : i32
    %c0_i32_1 = arith.constant 0 : i32
    return %c0_i32, %c0_i32_0 : i32, i32
  }
  func.func @transform_4(%arg0: i32) -> (i32, i32) {
    %c0_i32 = arith.constant 0 : i32
    %c0_i32_0 = arith.constant 0 : i32
    %c0_i32_1 = arith.constant 0 : i32
    return %c0_i32, %c0_i32_0 : i32, i32
  }
  func.func @transform_5(%arg0: i32) -> (i32, i32) {
    %c0_i32 = arith.constant 0 : i32
    %c0_i32_0 = arith.constant 0 : i32
    %c0_i32_1 = arith.constant 0 : i32
    return %c0_i32, %c0_i32_0 : i32, i32
  }
  func.func @transform_6(%arg0: i32) -> (i32, i32) {
    %c0_i32 = arith.constant 0 : i32
    %c0_i32_0 = arith.constant 0 : i32
    return %arg0, %c0_i32 : i32, i32
  }
}

module attributes {stable_mosaic.version = 14 : i64} {
  func.func @_fin_body(%arg0: i32, %arg1: memref<2x1000x128xf32, #tpu.memory_space<vmem>>, %arg2: memref<1000x128xf32, #tpu.memory_space<vmem>>, %arg3: memref<1000x128xf32, #tpu.memory_space<vmem>>, %arg4: memref<1x128xf32, #tpu.memory_space<vmem>>, %arg5: memref<128x128xf32, #tpu.memory_space<vmem>>, %arg6: memref<1x128xf32, #tpu.memory_space<vmem>>, %arg7: memref<1000x128xf32, #tpu.memory_space<vmem>>) attributes {dimension_semantics = [#tpu.dimension_semantics<arbitrary>], iteration_bounds = array<i64: 10>, scalar_prefetch = 0 : i64, scratch_operands = 0 : i64, tpu.core_type = #tpu.core_type<tc>, window_params = [{transform_indices = @transform_0, window_bounds = array<i64: 2, 1000, 128>}, {transform_indices = @transform_1, window_bounds = array<i64: 1000, 128>}, {transform_indices = @transform_2, window_bounds = array<i64: 1000, 128>}, {pipeline_mode = #tpu.pipeline_mode<synchronous>, transform_indices = @transform_3, window_bounds = array<i64: 1, 128>}, {pipeline_mode = #tpu.pipeline_mode<synchronous>, transform_indices = @transform_4, window_bounds = array<i64: 128, 128>}, {pipeline_mode = #tpu.pipeline_mode<synchronous>, transform_indices = @transform_5, window_bounds = array<i64: 1, 128>}, {transform_indices = @transform_6, window_bounds = array<i64: 1000, 128>}]} {
    %get3A = arith.constant 0 : index
    %get3A_0 = arith.constant 0 : index
    %get3A_1 = arith.constant 0 : index
    %get3A_2 = vector.load %arg1[%get3A, %get3A_0, %get3A_1] : memref<2x1000x128xf32, #tpu.memory_space<vmem>>, vector<1x1000x128xf32>
    %get3A_3 = vector.shape_cast %get3A_2 : vector<1x1000x128xf32> to vector<1000x128xf32>
    %get3A_4 = arith.constant 1 : index
    %get3A_5 = arith.constant 0 : index
    %get3A_6 = arith.constant 0 : index
    %get3A_7 = vector.load %arg1[%get3A_4, %get3A_5, %get3A_6] : memref<2x1000x128xf32, #tpu.memory_space<vmem>>, vector<1x1000x128xf32>
    %get3A_8 = vector.shape_cast %get3A_7 : vector<1x1000x128xf32> to vector<1000x128xf32>
    %add3A = arith.addf %get3A_3, %get3A_8 : vector<1000x128xf32>
    %get3A_9 = arith.constant 0 : index
    %get3A_10 = arith.constant 0 : index
    %get3A_11 = vector.load %arg2[%get3A_9, %get3A_10] : memref<1000x128xf32, #tpu.memory_space<vmem>>, vector<1000x128xf32>
    %add3A_12 = arith.addf %add3A, %get3A_11 : vector<1000x128xf32>
    %get3A_13 = arith.constant 0 : index
    %get3A_14 = arith.constant 0 : index
    %get3A_15 = vector.load %arg3[%get3A_13, %get3A_14] : memref<1000x128xf32, #tpu.memory_space<vmem>>, vector<1000x128xf32>
    %mul3A = arith.mulf %add3A_12, %get3A_15 : vector<1000x128xf32>
    %get3A_16 = arith.constant 0 : index
    %get3A_17 = arith.constant 0 : index
    %get3A_18 = vector.load %arg4[%get3A_16, %get3A_17] : memref<1x128xf32, #tpu.memory_space<vmem>>, vector<1x128xf32>
    %add3A_19 = vector.broadcast %get3A_18 : vector<1x128xf32> to vector<1000x128xf32>
    %add3A_20 = arith.addf %mul3A, %add3A_19 : vector<1000x128xf32>
    %max3A = arith.constant 0.000000e+00 : f32
    %max3A_21 = vector.broadcast %max3A : f32 to vector<1000x128xf32>
    %max3A_22 = arith.maximumf %add3A_20, %max3A_21 : vector<1000x128xf32>
    %get3A_23 = arith.constant 0 : index
    %get3A_24 = arith.constant 0 : index
    %get3A_25 = vector.load %arg5[%get3A_23, %get3A_24] : memref<128x128xf32, #tpu.memory_space<vmem>>, vector<128x128xf32>
    %dot_general3A = arith.constant dense<0.000000e+00> : vector<1000x128xf32>
    %dot_general3A_26 = tpu.matmul %max3A_22, %get3A_25, %dot_general3A {dimension_numbers = #tpu.dot_dimension_numbers<[1], [0], [0], [1], [0, 0, 1, 1], [], []>, transpose_lhs_hint = false} : vector<1000x128xf32>, vector<128x128xf32>, vector<1000x128xf32> -> vector<1000x128xf32>
    %get3A_27 = arith.constant 0 : index
    %get3A_28 = arith.constant 0 : index
    %get3A_29 = vector.load %arg6[%get3A_27, %get3A_28] : memref<1x128xf32, #tpu.memory_space<vmem>>, vector<1x128xf32>
    %add3A_30 = vector.broadcast %get3A_29 : vector<1x128xf32> to vector<1000x128xf32>
    %add3A_31 = arith.addf %dot_general3A_26, %add3A_30 : vector<1000x128xf32>
    %swap3A = arith.constant 0 : index
    %swap3A_32 = arith.constant 0 : index
    %swap3A_33 = vector.load %arg7[%swap3A, %swap3A_32] : memref<1000x128xf32, #tpu.memory_space<vmem>>, vector<1000x128xf32>
    tpu.vector_store %arg7[%swap3A, %swap3A_32], %add3A_31 {strides = array<i32>} : memref<1000x128xf32, #tpu.memory_space<vmem>>, vector<1000x128xf32>,
    return
  }
  func.func @transform_0(%arg0: i32) -> (i32, i32, i32) {
    %c0_i32 = arith.constant 0 : i32
    %c0_i32_0 = arith.constant 0 : i32
    %c0_i32_1 = arith.constant 0 : i32
    return %c0_i32, %arg0, %c0_i32_0 : i32, i32, i32
  }
  func.func @transform_1(%arg0: i32) -> (i32, i32) {
    %c0_i32 = arith.constant 0 : i32
    %c0_i32_0 = arith.constant 0 : i32
    return %arg0, %c0_i32 : i32, i32
  }
  func.func @transform_2(%arg0: i32) -> (i32, i32) {
    %c0_i32 = arith.constant 0 : i32
    %c0_i32_0 = arith.constant 0 : i32
    return %arg0, %c0_i32 : i32, i32
  }
  func.func @transform_3(%arg0: i32) -> (i32, i32) {
    %c0_i32 = arith.constant 0 : i32
    %c0_i32_0 = arith.constant 0 : i32
    %c0_i32_1 = arith.constant 0 : i32
    return %c0_i32, %c0_i32_0 : i32, i32
  }
  func.func @transform_4(%arg0: i32) -> (i32, i32) {
    %c0_i32 = arith.constant 0 : i32
    %c0_i32_0 = arith.constant 0 : i32
    %c0_i32_1 = arith.constant 0 : i32
    return %c0_i32, %c0_i32_0 : i32, i32
  }
  func.func @transform_5(%arg0: i32) -> (i32, i32) {
    %c0_i32 = arith.constant 0 : i32
    %c0_i32_0 = arith.constant 0 : i32
    %c0_i32_1 = arith.constant 0 : i32
    return %c0_i32, %c0_i32_0 : i32, i32
  }
  func.func @transform_6(%arg0: i32) -> (i32, i32) {
    %c0_i32 = arith.constant 0 : i32
    %c0_i32_0 = arith.constant 0 : i32
    return %arg0, %c0_i32 : i32, i32
  }
}

</mosaic_0001>

<sc_bundles>
// kernel: kernel.11.cloned.1.call-start
scs
__scs_entry_jumppad:
0x0: {  	(pc) =	sbr.rel $0x88, $3  }
0x1: {  	(tag) =	ssettag $0x0;
	lr =	simm.s32 $0x1  }
0x2: {  	[smem:$0x3F99] =	sst lr;
	_ =	strace $0xD0000000  }
0x3: {  	_ = 	snop  }
0x4: {  	_ = 	snop  }
0x5: {  	_ = 	snop  }
0x6: {  	_ = 	snop  }
0x7: {  	_ = 	snop  }
__scs_overlays_trampoline_lowered:
0x8: {  	[smem:$0x3FA8] =	sst s0  }
0x9: {  	[smem:$0x3FA9] =	sst s1  }
0xa: {  	[smem:$0x3FAA] =	sst s2  }
0xb: {  	[smem:$0x3FAB] =	sst s3  }
0xc: {  	[smem:$0x3FAC] =	sst s4  }
0xd: {  	[smem:$0x3FAD] =	sst s5  }
0xe: {  	[smem:$0x3FAE] =	sst s6  }
0xf: {  	[smem:$0x3FAF] =	sst s7  }
0x10: {  	[smem:$0x3FB0] =	sst s8  }
0x11: {  	[smem:$0x3FB1] =	sst s9;
	s0 =	simm.s32 @!p0 $0x0  }
0x12: {  	s1 =	sld [smem:$0x3F97];
	s0 =	simm.s32 @p0 $0x1  }
0x13: {  	[smem:$0x3FB2] =	sst s0;
	s0 =	simm.s32 @!p1 $0x0  }
0x14: {  	s2 =	sld [smem:$0x3F96];
	s0 =	simm.s32 @p1 $0x1  }
0x15: {  	[smem:$0x3FB3] =	sst s0;
	s0 =	simm.s32 @!p2 $0x0  }
0x16: {  	s3 =	sld [smem:$0x3FDB];
	s0 =	simm.s32 @p2 $0x1  }
0x17: {  	s4 =	simm.s32 $0x1BF5;
	[smem:$0x3FB5] =	sst s0  }
0x18: {  	s0 =	sld [smem:$0x3F98];
	_ =	swait.ge [sflag:s4], $0x0  }
0x19: {  	s7 =	sld [smem:$0x3F99]  }
0x1a: {  	s8 =	sadd.s32 $0xFFFFE003, lr  }
0x1b: {  	s9 =	sadd.s32 $0xFFFFFEF7, lr;
	s5 =	simm.s32 $0xFFFFFFFF;
	p2 =	slt.u32 s8, $0xFFFFF086  }
0x1c: {  	p1 =	slt.u32 s9, $0xF7A;
	s5 =	simm.s32 @!p2 $0x0  }
0x1d: {  	s5 =	simm.s32 @p1 $0x1;
	p0 =	seq.s32 s7, s2  }
0x1e: {  	s7 =	smul.u32 @!p0 $0xF7A, s2;
	p2 =	seq.s32 @!p0 s5, $0x0  }
0x1f: {  	s9 =	smul.u32 $0xF7A, s1;
	s8 =	simm.s32 @!p0 $0x1BF5;
	p2 =	por !p2, p0  }
0x20: {  	[sflag:s8] =	ssyncset.s32 @!p0 $0xFFFFF086;
	s6 =	sadd.s32 @!p0 s3, s7;
	s7 =	simm.s32 @!p0 $0x108  }
0x21: {  	s3 =	sadd.s32 s3, s9;
	s6 =	sadd.s32 @!p0 $0x88, s6;
	s7 =	simm.s32 @p2 $0x1082  }
0x22: {  	[simem:s7], [sflag:s8] =	dma.local @!p0 [hbm:s6], $0xF7A  }
0x23: {  	s9 =	sor.u32 $0xD0000000, s2;
	s6 =	simm.s32 $0x108;
	_ =	swait.ge @!p0 [sflag:s8], $0x0  }
0x24: {  	s3 =	sadd.s32 $0x88, s3;
	s6 =	simm.s32 @!p1 $0x1082;
	[sflag:s4] =	ssyncset.s32 $0xFFFFF086  }
0x25: {  	[simem:s6], [sflag:s4] =	dma.local [hbm:s3], $0xF7A  }
0x26: {  	[smem:$0x3F99] =	sst s1;
	(tag) =	ssettag s2;
	_ =	strace s9  }
0x27: {  	s1 =	sld [smem:$0x3FA9]  }
0x28: {  	s2 =	sld [smem:$0x3FAA]  }
0x29: {  	s4 =	sld [smem:$0x3FAC]  }
0x2a: {  	p0 =	seq.s32 s5, $0x0;
	s5 =	sld [smem:$0x3FAD]  }
0x2b: {  	s6 =	sld [smem:$0x3FAE]  }
0x2c: {  	s7 =	sld [smem:$0x3FAF]  }
0x2d: {  	s3 =	simm.s32 $0x108;
	s8 =	sld [smem:$0x3FB0]  }
0x2e: {  	s3 =	simm.s32 @!p0 $0x1082;
	s9 =	sld [smem:$0x3FB1]  }
0x2f: {  	lr =	sadd.s32 s0, s3;
	s0 =	sld [smem:$0x3FA8]  }
0x30: {  	s3 =	sld [smem:$0x3FAB]  }
0x31: {  	[smem:$0x3FB4] =	sst s10  }
0x32: {  	s10 =	sld [smem:$0x3FB2];
	_ =	sdelay $0x3  }
0x33: {  	p0 =	seq.s32 s10, $0x1;
	s10 =	sld [smem:$0x3FB4];
	_ =	sdelay $0x3  }
0x34: {  	[smem:$0x3FB4] =	sst s10  }
0x35: {  	s10 =	sld [smem:$0x3FB3];
	_ =	sdelay $0x3  }
0x36: {  	p1 =	seq.s32 s10, $0x1;
	s10 =	sld [smem:$0x3FB4];
	_ =	sdelay $0x3  }
0x37: {  	[smem:$0x3FB4] =	sst s10  }
0x38: {  	s10 =	sld [smem:$0x3FB5]  }
0x39: {  	_ = 	snop;
	(pc) =	sbr.ind lr, $3  }
0x3a: {  	_ = 	snop  }
0x3b: {  	_ = 	snop  }
0x3c: {  	p2 =	seq.s32 s10, $0x1;
	s10 =	sld [smem:$0x3FB4]  }
0x3d: {  	_ =	shalt  }
0x3e: {  	_ =	shalt  }
0x3f: {  	_ =	shalt  }
0x40: {  	_ =	shalt  }
0x41: {  	_ =	shalt  }
0x42: {  	_ =	shalt  }
0x43: {  	_ =	shalt  }
0x44: {  	_ =	shalt  }
0x45: {  	_ =	shalt  }
0x46: {  	_ =	shalt  }
0x47: {  	_ =	shalt  }
0x48: {  	_ =	shalt  }
0x49: {  	_ =	shalt  }
0x4a: {  	_ =	shalt  }
0x4b: {  	_ =	shalt  }
0x4c: {  	_ =	shalt  }
0x4d: {  	_ =	shalt  }
0x4e: {  	_ =	shalt  }
0x4f: {  	_ =	shalt  }
0x50: {  	_ =	shalt  }
0x51: {  	_ =	shalt  }
0x52: {  	_ =	shalt  }
0x53: {  	_ =	shalt  }
0x54: {  	_ =	shalt  }
0x55: {  	_ =	shalt  }
0x56: {  	_ =	shalt  }
0x57: {  	_ =	shalt  }
0x58: {  	_ =	shalt  }
0x59: {  	_ =	shalt  }
0x5a: {  	_ =	shalt  }
0x5b: {  	_ =	shalt  }
0x5c: {  	_ =	shalt  }
0x5d: {  	_ =	shalt  }
0x5e: {  	_ =	shalt  }
0x5f: {  	_ =	shalt  }
0x60: {  	_ =	shalt  }
0x61: {  	_ =	shalt  }
0x62: {  	_ =	shalt  }
0x63: {  	_ =	shalt  }
0x64: {  	_ =	shalt  }
0x65: {  	_ =	shalt  }
0x66: {  	_ =	shalt  }
0x67: {  	_ =	shalt  }
0x68: {  	_ =	shalt  }
0x69: {  	_ =	shalt  }
0x6a: {  	_ =	shalt  }
0x6b: {  	_ =	shalt  }
0x6c: {  	_ =	shalt  }
0x6d: {  	_ =	shalt  }
0x6e: {  	_ =	shalt  }
0x6f: {  	_ =	shalt  }
0x70: {  	_ =	shalt  }
0x71: {  	_ =	shalt  }
0x72: {  	_ =	shalt  }
0x73: {  	_ =	shalt  }
0x74: {  	_ =	shalt  }
0x75: {  	_ =	shalt  }
0x76: {  	_ =	shalt  }
0x77: {  	_ =	shalt  }
0x78: {  	_ =	shalt  }
0x79: {  	_ =	shalt  }
0x7a: {  	_ =	shalt  }
0x7b: {  	_ =	shalt  }
0x7c: {  	_ =	shalt  }
0x7d: {  	_ =	shalt  }
0x7e: {  	_ =	shalt  }
0x7f: {  	_ =	shalt  }
0x80: {  	_ =	shalt  }
0x81: {  	_ =	shalt  }
0x82: {  	_ =	shalt  }
0x83: {  	_ =	shalt  }
0x84: {  	_ =	shalt  }
0x85: {  	_ =	shalt  }
0x86: {  	_ =	shalt  }
0x87: {  	_ =	shalt  }
.Lfunc_end0:
.L_simem_size_0:
called_computation.1_lowered:
.L_overlay_start_0:
0x88: {  	s2 =	sld [smem:$0x3FD9]  }
0x89: {  	s3 =	sld [smem:$0x3FFE];
	_ =	sdelay $0x1  }
0x8a: {  	s1 =	srdreg.scid  }
0x8b: {  	s0 =	sand.u32 $0x1, s1  }
0x8c: {  	s17 =	sshll.u32 s0, $0xA;
	s2 =	sadd.s32 s3, s2  }
0x8d: {  	s2 =	sadd.s32 s2, s17  }
0x8e: {  	[smem:$0x3FC0] =	sst s2  }
0x8f: {  	_ = 	snop  }
0x90: {  	s2 =	sld [smem:$0x3FD0];
	(tm) =	ssettm $0x1  }
0x91: {  	s18 =	sld [smem:$0x3FFB];
	_ =	sdelay $0x3  }
0x92: {  	_ =	strace s18  }
0x93: {  	s3 =	sld [smem:$0x3FFC];
	_ =	sdelay $0x3  }
0x94: {  	_ =	strace s3  }
0x95: {  	s3 =	sld [smem:$0x3FFD];
	_ =	sdelay $0x3  }
0x96: {  	_ =	strace s3  }
0x97: {  	_ =	strace $0x8FFFFFFF  }
0x98: {  	s19 =	sld [smem:$0x3FDB];
	_ =	sdelay $0x1  }
0x99: {  	s4 =	simm.s32 $_scs_section_size  }
0x9a: {  	s5 =	simm.s32 $_size__tile_overlayer_lowered;
	s6 =	simm.s32 $_tile_overlayer_lowered  }
0x9b: {  	s22 =	simm.s32 $0x1BFF;
	s21 =	sshll.u32 s6, $0x1;
	s3 =	sadd.s32 s4, s19  }
0x9c: {  	s7 =	simm.s32 $0x0;
	s20 =	sshll.u32 s5, $0x1;
	s5 =	sadd.s32 s21, s3  }
0x9d: {  	[timem:s7], [sflag:s22] =	dma.local [hbm:s5], s20  }
0x9e: {  	_ =	swait.ge [sflag:s22], s20  }
0x9f: {  	s4 =	ssub.s32 $0x0, s20;
	[sflag:s22] =	ssyncset.done $0x0  }
0xa0: {  	[sflag:s22] =	ssyncadd.s32 s4;
	_ =	sdelay $0x1  }
0xa1: {  	s23 =	simm.s32 $0x1B8B  }
0xa2: {  	_ =	swait.ge [sflag:s23], $0x1  }
0xa3: {  	[sflag:s23] =	ssyncset.done $0x0  }
0xa4: {  	s25 =	simm.s32 $0x1B8E;
	s24 =	sld [smem:$0x3FFE];
	[sflag:s23] =	ssyncadd.s32 $0xFFFFFFFF  }
0xa5: {  	s26 =	simm.s32 $execute0_lowered;
	[smem:$0x3FD2] =	sst s25  }
0xa6: {  	s5 =	sshll.u32 s26, $0x1;
	_ =	strace $0x80000049;
	[dreg:$0x1] =	wrdreg $0xFFFFFFFF  }
0xa7: {  	s28 =	simm.s32 $_size_execute0_lowered;
	s3 =	sadd.s32 s3, s5;
	[dreg:$0x0] =	wrdreg $0x0  }
0xa8: {  	s5 =	sshll.u32 s28, $0x1;
	[dreg:$0x2] =	wrdreg s3  }
0xa9: {  	[dreg:$0x3] =	wrdreg s5  }
0xaa: {  	[dreg:$0x4] =	wrdreg $0xC0  }
0xab: {  	_ =	task [dreg:s7], $0x5FFFF  }
0xac: {  	[dreg:$0x1] =	wrdreg $0xFFFFFFFF  }
0xad: {  	[dreg:$0x0] =	wrdreg $0x60  }
0xae: {  	[dreg:$0x2] =	wrdreg s2  }
0xaf: {  	[dreg:$0x3] =	wrdreg s24  }
0xb0: {  	[dreg:$0x4] =	wrdreg $0x90000  }
0xb1: {  	[dreg:$0x5] =	wrdreg $0x9  }
0xb2: {  	_ =	task.clear_ibuf [dreg:s7], $0x6FFFF;
	_ =	strace $0x90000049  }
0xb3: {  	s29 =	simm.s32 $0x9;
	_ =	strace $0x8000004B  }
0xb4: {  	_ =	swait.ge [sflag:s29], $0x1  }
0xb5: {  	[sflag:s29] =	ssyncadd.s32 $0xFFFFFFFF  }
0xb6: {  	_ =	strace $0x9000004B  }
0xb7: {  	_ =	sfence  }
0xb8: {  	s30 =	sld [smem:$0x0];
	_ =	sdelay $0x2  }
0xb9: {  	s31 =	sshll.u32 s1, $0xD;
	s1 =	sshrl.u32 s1, $0x2  }
0xba: {  	s3 =	sand.u32 $0x4000, s31;
	s1 =	sadd.s32 s1, s30  }
0xbb: {  	s0 =	sor.u32 s3, s0;
	s1 =	sshll.u32 s1, $0x11  }
0xbc: {  	s0 =	sor.u32 s1, s0  }
0xbd: {  	s0 =	sadd.s32 $0x8F2B, s0  }
0xbe: {  	[sflag:s0] =	ssyncadd.remote.s32 $0x1  }
0xbf: {  	_ =	sfence.sel $0xFFFF  }
0xc0: {  	[dreg:$0x0] =	wrdreg $0xFFFFFFFF;
	(pc) =	sbr.abs _section_cstart, $3  }
0xc1: {  	[dreg:$0x1] =	wrdreg $0xFFFFFFFF  }
0xc2: {  	_ =	task.clear_ibuf [dreg:s7], $0x2FFFF;
	_ =	strace $0x9FFFFFFF  }
0xc3: {  	(tm) =	ssettm $0x7FFFFFFF  }
tec
execute0_lowered:
.L_overlay_start_1:
0x0: {  	(tag) =	ssettag $0x1  }
0x1: {  	s1 =	rddreg [dreg:$0x0]  }
0x2: {  	s0 =	srdreg.scid;
	s6 =	rddreg [dreg:$0x1]  }
0x3: {  	s3 =	rddreg [dreg:$0x2];
	s4 =	simm.s32 $0x0;
	s14 =	simm.s32 $0x80  }
0x4: {  	s15 =	simm.s32 $0x5000;
	s16 =	simm.s32 $0x1;
	s5 =	sand.u32 $0x1, s0  }
0x5: {  	s17 =	simm.s32 $0x0;
	s0 =	stileid.u32;
	s8 =	smul.u32 $0x13C000, s5  }
0x6: {  	[smem:$0x7FF] =	sst s4;
	s2 =	sshll.u32 s5, $0x4;
	s9 =	smul.u32 $0x13C00, s0  }
0x7: {  	s30 =	ssub.s32 $0x2, s5;
	s11 =	smul.u32 $0x4F000, s0;
	s5 =	sadd.s32 $0xCC00, s6  }
0x8: {  	s12 =	sshll.u32 s0, $0x6;
	s2 =	sor.u32 s0, s2;
	s10 =	sshrl.u32 s30, $0x1  }
0x9: {  	s12 =	sor.u32 $0x1C02, s12;
	s7 =	smul.u32 $0x500, s2;
	s2 =	rddreg [dreg:$0x3]  }
0xa: {  	_ =	strace $0x8000004A;
	s8 =	sadd.s32 s9, s8;
	s9 =	ssub.s32 s30, s10  }
0xb: {  	s31 =	sshrl.u32 s11, $0x2;
	s10 =	simm.s32 $0x2;
	s11 =	simm.s32 $0x2800  }
0xc: {  	s8 =	sshrl.u32 s8, $0x3;
	s13 =	sadd.s32 s31, s3;
	s9 =	smax.u32 s9, $0x1  }
0xd: {  	s7 =	sadd.s32 s7, s6;
	s8 =	sadd.s32 s8, s6;
	s13 =	sshrl.u32 s13, $0x3  }
0xe: {  	s6 =	sadd.s32 $0x5E400, s7;
	s7 =	sadd.s32 $0x2C00, s7;
	s8 =	sadd.s32 $0xF400, s8  }
.LBB2_1:
0xf: {  	[tilespmem:s4], [sflag:$0x2] =	stream.linear.gather [hbm4b:s6+s4], $0x2780, $0x38;
	[tilespmem:$0x1CC00] =	vst v63  }
0x10: {  	_ =	swait.ge [sflag:s10], $0x2780  }
0x11: {  	[sflag:s10] =	ssyncset.done $0x0  }
0x12: {  	[sflag:s10] =	ssyncadd.s32 $0xFFFFD880  }
0x13: {  	[tilespmem:s11], [sflag:$0x2] =	stream.linear.gather [hbm4b:s7+s4], $0x2780, $0x38;
	[tilespmem:$0x1CC00] =	vst v63  }
0x14: {  	_ =	swait.ge [sflag:s10], $0x2780  }
0x15: {  	[sflag:s10] =	ssyncset.done $0x0  }
0x16: {  	[sflag:s10] =	ssyncadd.s32 $0xFFFFD880  }
0x17: {  	[spmem:s13], [sflag:s12] =	dma.local [hbm:s5], $0x2780  }
0x18: {  	_ =	swait.ge [sflag:s10], $0x2780  }
0x19: {  	[sflag:s10] =	ssyncset.done $0x0  }
0x1a: {  	[sflag:s10] =	ssyncadd.s32 $0xFFFFD880  }
0x1b: {  	s18 =	simm.s32 $0x0;
	[bflag:$0x0] =	sbarrier.arrive $0xFFFF  }
0x1c: {  	[tilespmem:s15], [sflag:$0x1] =	stream.indirect.gather [hbm4b:s1+s14], $0x80, s18, s14, $0xb8;
	[tilespmem:$0x1CC00] =	vst v63  }
0x1d: {  	_ =	swait.ge [sflag:s16], $0x4000  }
0x1e: {  	[sflag:s16] =	ssyncset.done $0x0  }
0x1f: {  	s31 =	simm.s32 $0x2800;
	[sflag:s16] =	ssyncadd.s32 $0xFFFFC000  }
0x20: {  	[spmem:s3] =	stream.indirect.scatter.add.f32 [tilespmem:s15], [sflag:$0x2], $0x80, s31, s14, $0xb8;
	[tilespmem:$0x1CC00] =	vst v63  }
0x21: {  	_ =	swait.ge [sflag:s10], $0x4000  }
0x22: {  	s19 =	simm.s32 $0x400;
	s18 =	simm.s32 $0x200;
	[sflag:s10] =	ssyncset.done $0x0  }
.LBB2_2:
0x23: {  	s20 =	sshra.s32 s18, $0x2  }
0x24: {  	[sflag:s10] =	ssyncadd.s32 $0xFFFFC000;
	s18 =	smov.u32 s19;
	s21 =	sadd.s32 $0x200, s19  }
0x25: {  	[tilespmem:s15], [sflag:$0x1] =	stream.indirect.gather [hbm4b:s1+s14], $0x80, s20, s14, $0xb8;
	[tilespmem:$0x1CC00] =	vst v63  }
0x26: {  	p0 =	sne.s32 s19, $0x9C00;
	_ =	swait.ge [sflag:s16], $0x4000  }
.Ltmp0:
0x27: {  	[sflag:s16] =	ssyncset.done $0x0;
	(pc) =	sbr.rel @p0 .LBB2_2-.Ltmp0, $4  }
0x28: {  	s19 =	sadd.s32 $0x2800, s20;
	[sflag:s16] =	ssyncadd.s32 $0xFFFFC000  }
0x29: {  	[spmem:s3] =	stream.indirect.scatter.add.f32 [tilespmem:s15], [sflag:$0x2], $0x80, s19, s14, $0xb8;
	[tilespmem:$0x1CC00] =	vst v63  }
0x2a: {  	_ =	swait.ge [sflag:s10], $0x4000  }
0x2b: {  	s19 =	smov.u32 s21;
	[sflag:s10] =	ssyncset.done $0x0  }
0x2c: {  	s18 =	sshra.s32 s18, $0x2;
	[sflag:s10] =	ssyncadd.s32 $0xFFFFC000  }
0x2d: {  	[tilespmem:s15], [sflag:$0x1] =	stream.indirect.gather [hbm4b:s1+s14], $0x80, s18, s14, $0xb8;
	[tilespmem:$0x1CC00] =	vst v63  }
0x2e: {  	_ =	swait.ge [sflag:s16], $0x4000  }
0x2f: {  	[sflag:s16] =	ssyncset.done $0x0  }
0x30: {  	s18 =	sadd.s32 $0x2800, s18;
	[sflag:s16] =	ssyncadd.s32 $0xFFFFC000  }
0x31: {  	[spmem:s3] =	stream.indirect.scatter.add.f32 [tilespmem:s15], [sflag:$0x2], $0x80, s18, s14, $0xb8;
	[tilespmem:$0x1CC00] =	vst v63  }
0x32: {  	_ =	swait.ge [sflag:s10], $0x4000  }
0x33: {  	s17 =	sadd.s32 $0x1, s17;
	[sflag:s10] =	ssyncset.done $0x0  }
0x34: {  	p0 =	sne.s32 s17, s9;
	[sflag:s10] =	ssyncadd.s32 $0xFFFFC000  }
.Ltmp1:
0x35: {  	[bflag:$0x0] =	sbarrier.arrive $0xFFFF;
	(pc) =	sbr.rel @p0 .LBB2_1-.Ltmp1, $4  }
0x36: {  	[hbm:s8], [sflag:s12] =	dma.local [spmem:s13], $0x2780  }
0x37: {  	_ =	swait.ge [sflag:s10], $0x2780  }
0x38: {  	[sflag:s10] =	ssyncset.done $0x0  }
0x39: {  	[sflag:s10] =	ssyncadd.s32 $0xFFFFD880  }
0x3a: {  	_ =	sfence.sel $0x180000  }
0x3b: {  	[bflag:$0x0] =	sbarrier.arrive $0xFFFF  }
0x3c: {  	p0 =	sne.s32 s0, $0x0;
	_ =	strace $0x9000004A  }
0x3d: {  	s0 =	sadd.s32 @!p0 $0x100000, s2;
	[bflag:$0x2] =	sbarrier.arrive $0xFFFF  }
0x3e: {  	[sflag:s0] =	ssyncadd.tile.s32 @!p0 $0x1;
	_ =	shalt  }
.Lfunc_end2:
_tile_overlayer_lowered:
.L_overlay_start_2:
0x3f: {  	(tag) =	ssettag $0x2  }
0x40: {  	s0 =	rddreg [dreg:$0x0];
	s2 =	stileid.u32  }
0x41: {  	s1 =	rddreg [dreg:$0x1];
	p0 =	sne.s32 s2, $0x0  }
0x42: {  	s3 =	rddreg [dreg:$0x2];
	[bflag:$0x3] =	sbarrier.arrive $0xFFFF;
	s2 =	simm.s32 @!p0 $0x1C02  }
0x43: {  	[timem:s3], [sflag:s2] =	dma.local @!p0 [hbm:s0], s1  }
0x44: {  	s0 =	simm.s32 @!p0 $0x2  }
0x45: {  	_ =	swait.ge @!p0 [sflag:s0], s1  }
0x46: {  	s1 =	ssub.s32 @!p0 $0x0, s1;
	[sflag:s0] =	ssyncset.done @!p0 $0x0  }
0x47: {  	[sflag:s0] =	ssyncadd.s32 @!p0 s1  }
0x48: {  	[bflag:$0x3] =	sbarrier.arrive $0xFFFF  }
0x49: {  	_ =	shalt  }

// kernel: kernel.14.cloned.1.call-start
scs
__scs_entry_jumppad:
0x0: {  	(pc) =	sbr.rel $0x88, $3  }
0x1: {  	(tag) =	ssettag $0x0;
	lr =	simm.s32 $0x1  }
0x2: {  	[smem:$0x3F99] =	sst lr;
	_ =	strace $0xD0000000  }
0x3: {  	_ = 	snop  }
0x4: {  	_ = 	snop  }
0x5: {  	_ = 	snop  }
0x6: {  	_ = 	snop  }
0x7: {  	_ = 	snop  }
__scs_overlays_trampoline_lowered:
0x8: {  	[smem:$0x3FA8] =	sst s0  }
0x9: {  	[smem:$0x3FA9] =	sst s1  }
0xa: {  	[smem:$0x3FAA] =	sst s2  }
0xb: {  	[smem:$0x3FAB] =	sst s3  }
0xc: {  	[smem:$0x3FAC] =	sst s4  }
0xd: {  	[smem:$0x3FAD] =	sst s5  }
0xe: {  	[smem:$0x3FAE] =	sst s6  }
0xf: {  	[smem:$0x3FAF] =	sst s7  }
0x10: {  	[smem:$0x3FB0] =	sst s8  }
0x11: {  	[smem:$0x3FB1] =	sst s9;
	s0 =	simm.s32 @!p0 $0x0  }
0x12: {  	s1 =	sld [smem:$0x3F97];
	s0 =	simm.s32 @p0 $0x1  }
0x13: {  	[smem:$0x3FB2] =	sst s0;
	s0 =	simm.s32 @!p1 $0x0  }
0x14: {  	s2 =	sld [smem:$0x3F96];
	s0 =	simm.s32 @p1 $0x1  }
0x15: {  	[smem:$0x3FB3] =	sst s0;
	s0 =	simm.s32 @!p2 $0x0  }
0x16: {  	s3 =	sld [smem:$0x3FDB];
	s0 =	simm.s32 @p2 $0x1  }
0x17: {  	s4 =	simm.s32 $0x1BF5;
	[smem:$0x3FB5] =	sst s0  }
0x18: {  	s0 =	sld [smem:$0x3F98];
	_ =	swait.ge [sflag:s4], $0x0  }
0x19: {  	s7 =	sld [smem:$0x3F99]  }
0x1a: {  	s8 =	sadd.s32 $0xFFFFE003, lr  }
0x1b: {  	s9 =	sadd.s32 $0xFFFFFEF7, lr;
	s5 =	simm.s32 $0xFFFFFFFF;
	p2 =	slt.u32 s8, $0xFFFFF086  }
0x1c: {  	p1 =	slt.u32 s9, $0xF7A;
	s5 =	simm.s32 @!p2 $0x0  }
0x1d: {  	s5 =	simm.s32 @p1 $0x1;
	p0 =	seq.s32 s7, s2  }
0x1e: {  	s7 =	smul.u32 @!p0 $0xF7A, s2;
	p2 =	seq.s32 @!p0 s5, $0x0  }
0x1f: {  	s9 =	smul.u32 $0xF7A, s1;
	s8 =	simm.s32 @!p0 $0x1BF5;
	p2 =	por !p2, p0  }
0x20: {  	[sflag:s8] =	ssyncset.s32 @!p0 $0xFFFFF086;
	s6 =	sadd.s32 @!p0 s3, s7;
	s7 =	simm.s32 @!p0 $0x108  }
0x21: {  	s3 =	sadd.s32 s3, s9;
	s6 =	sadd.s32 @!p0 $0x88, s6;
	s7 =	simm.s32 @p2 $0x1082  }
0x22: {  	[simem:s7], [sflag:s8] =	dma.local @!p0 [hbm:s6], $0xF7A  }
0x23: {  	s9 =	sor.u32 $0xD0000000, s2;
	s6 =	simm.s32 $0x108;
	_ =	swait.ge @!p0 [sflag:s8], $0x0  }
0x24: {  	s3 =	sadd.s32 $0x88, s3;
	s6 =	simm.s32 @!p1 $0x1082;
	[sflag:s4] =	ssyncset.s32 $0xFFFFF086  }
0x25: {  	[simem:s6], [sflag:s4] =	dma.local [hbm:s3], $0xF7A  }
0x26: {  	[smem:$0x3F99] =	sst s1;
	(tag) =	ssettag s2;
	_ =	strace s9  }
0x27: {  	s1 =	sld [smem:$0x3FA9]  }
0x28: {  	s2 =	sld [smem:$0x3FAA]  }
0x29: {  	s4 =	sld [smem:$0x3FAC]  }
0x2a: {  	p0 =	seq.s32 s5, $0x0;
	s5 =	sld [smem:$0x3FAD]  }
0x2b: {  	s6 =	sld [smem:$0x3FAE]  }
0x2c: {  	s7 =	sld [smem:$0x3FAF]  }
0x2d: {  	s3 =	simm.s32 $0x108;
	s8 =	sld [smem:$0x3FB0]  }
0x2e: {  	s3 =	simm.s32 @!p0 $0x1082;
	s9 =	sld [smem:$0x3FB1]  }
0x2f: {  	lr =	sadd.s32 s0, s3;
	s0 =	sld [smem:$0x3FA8]  }
0x30: {  	s3 =	sld [smem:$0x3FAB]  }
0x31: {  	[smem:$0x3FB4] =	sst s10  }
0x32: {  	s10 =	sld [smem:$0x3FB2];
	_ =	sdelay $0x3  }
0x33: {  	p0 =	seq.s32 s10, $0x1;
	s10 =	sld [smem:$0x3FB4];
	_ =	sdelay $0x3  }
0x34: {  	[smem:$0x3FB4] =	sst s10  }
0x35: {  	s10 =	sld [smem:$0x3FB3];
	_ =	sdelay $0x3  }
0x36: {  	p1 =	seq.s32 s10, $0x1;
	s10 =	sld [smem:$0x3FB4];
	_ =	sdelay $0x3  }
0x37: {  	[smem:$0x3FB4] =	sst s10  }
0x38: {  	s10 =	sld [smem:$0x3FB5]  }
0x39: {  	_ = 	snop;
	(pc) =	sbr.ind lr, $3  }
0x3a: {  	_ = 	snop  }
0x3b: {  	_ = 	snop  }
0x3c: {  	p2 =	seq.s32 s10, $0x1;
	s10 =	sld [smem:$0x3FB4]  }
0x3d: {  	_ =	shalt  }
0x3e: {  	_ =	shalt  }
0x3f: {  	_ =	shalt  }
0x40: {  	_ =	shalt  }
0x41: {  	_ =	shalt  }
0x42: {  	_ =	shalt  }
0x43: {  	_ =	shalt  }
0x44: {  	_ =	shalt  }
0x45: {  	_ =	shalt  }
0x46: {  	_ =	shalt  }
0x47: {  	_ =	shalt  }
0x48: {  	_ =	shalt  }
0x49: {  	_ =	shalt  }
0x4a: {  	_ =	shalt  }
0x4b: {  	_ =	shalt  }
0x4c: {  	_ =	shalt  }
0x4d: {  	_ =	shalt  }
0x4e: {  	_ =	shalt  }
0x4f: {  	_ =	shalt  }
0x50: {  	_ =	shalt  }
0x51: {  	_ =	shalt  }
0x52: {  	_ =	shalt  }
0x53: {  	_ =	shalt  }
0x54: {  	_ =	shalt  }
0x55: {  	_ =	shalt  }
0x56: {  	_ =	shalt  }
0x57: {  	_ =	shalt  }
0x58: {  	_ =	shalt  }
0x59: {  	_ =	shalt  }
0x5a: {  	_ =	shalt  }
0x5b: {  	_ =	shalt  }
0x5c: {  	_ =	shalt  }
0x5d: {  	_ =	shalt  }
0x5e: {  	_ =	shalt  }
0x5f: {  	_ =	shalt  }
0x60: {  	_ =	shalt  }
0x61: {  	_ =	shalt  }
0x62: {  	_ =	shalt  }
0x63: {  	_ =	shalt  }
0x64: {  	_ =	shalt  }
0x65: {  	_ =	shalt  }
0x66: {  	_ =	shalt  }
0x67: {  	_ =	shalt  }
0x68: {  	_ =	shalt  }
0x69: {  	_ =	shalt  }
0x6a: {  	_ =	shalt  }
0x6b: {  	_ =	shalt  }
0x6c: {  	_ =	shalt  }
0x6d: {  	_ =	shalt  }
0x6e: {  	_ =	shalt  }
0x6f: {  	_ =	shalt  }
0x70: {  	_ =	shalt  }
0x71: {  	_ =	shalt  }
0x72: {  	_ =	shalt  }
0x73: {  	_ =	shalt  }
0x74: {  	_ =	shalt  }
0x75: {  	_ =	shalt  }
0x76: {  	_ =	shalt  }
0x77: {  	_ =	shalt  }
0x78: {  	_ =	shalt  }
0x79: {  	_ =	shalt  }
0x7a: {  	_ =	shalt  }
0x7b: {  	_ =	shalt  }
0x7c: {  	_ =	shalt  }
0x7d: {  	_ =	shalt  }
0x7e: {  	_ =	shalt  }
0x7f: {  	_ =	shalt  }
0x80: {  	_ =	shalt  }
0x81: {  	_ =	shalt  }
0x82: {  	_ =	shalt  }
0x83: {  	_ =	shalt  }
0x84: {  	_ =	shalt  }
0x85: {  	_ =	shalt  }
0x86: {  	_ =	shalt  }
0x87: {  	_ =	shalt  }
.Lfunc_end0:
.L_simem_size_0:
called_computation.2_lowered:
.L_overlay_start_0:
0x88: {  	s2 =	sld [smem:$0x3FD9]  }
0x89: {  	s3 =	sld [smem:$0x3FFE];
	_ =	sdelay $0x1  }
0x8a: {  	s1 =	srdreg.scid  }
0x8b: {  	s0 =	sand.u32 $0x1, s1  }
0x8c: {  	s17 =	sshll.u32 s0, $0xA;
	s2 =	sadd.s32 s3, s2  }
0x8d: {  	s2 =	sadd.s32 s2, s17  }
0x8e: {  	[smem:$0x3FC0] =	sst s2  }
0x8f: {  	_ = 	snop  }
0x90: {  	s2 =	sld [smem:$0x3FD0];
	(tm) =	ssettm $0x1  }
0x91: {  	s18 =	sld [smem:$0x3FFB];
	_ =	sdelay $0x3  }
0x92: {  	_ =	strace s18  }
0x93: {  	s3 =	sld [smem:$0x3FFC];
	_ =	sdelay $0x3  }
0x94: {  	_ =	strace s3  }
0x95: {  	s3 =	sld [smem:$0x3FFD];
	_ =	sdelay $0x3  }
0x96: {  	_ =	strace s3  }
0x97: {  	_ =	strace $0x8FFFFFFF  }
0x98: {  	s19 =	sld [smem:$0x3FDB];
	_ =	sdelay $0x1  }
0x99: {  	s4 =	simm.s32 $_scs_section_size  }
0x9a: {  	s5 =	simm.s32 $_size__tile_overlayer_lowered;
	s6 =	simm.s32 $_tile_overlayer_lowered  }
0x9b: {  	s22 =	simm.s32 $0x1BFF;
	s21 =	sshll.u32 s6, $0x1;
	s3 =	sadd.s32 s4, s19  }
0x9c: {  	s7 =	simm.s32 $0x0;
	s20 =	sshll.u32 s5, $0x1;
	s5 =	sadd.s32 s21, s3  }
0x9d: {  	[timem:s7], [sflag:s22] =	dma.local [hbm:s5], s20  }
0x9e: {  	_ =	swait.ge [sflag:s22], s20  }
0x9f: {  	s4 =	ssub.s32 $0x0, s20;
	[sflag:s22] =	ssyncset.done $0x0  }
0xa0: {  	[sflag:s22] =	ssyncadd.s32 s4;
	_ =	sdelay $0x1  }
0xa1: {  	s23 =	simm.s32 $0x1B8B  }
0xa2: {  	_ =	swait.ge [sflag:s23], $0x1  }
0xa3: {  	[sflag:s23] =	ssyncset.done $0x0  }
0xa4: {  	s25 =	simm.s32 $0x1B8E;
	s24 =	sld [smem:$0x3FFE];
	[sflag:s23] =	ssyncadd.s32 $0xFFFFFFFF  }
0xa5: {  	s26 =	simm.s32 $execute0_lowered;
	[smem:$0x3FD2] =	sst s25  }
0xa6: {  	s5 =	sshll.u32 s26, $0x1;
	_ =	strace $0x8000004C;
	[dreg:$0x1] =	wrdreg $0xFFFFFFFF  }
0xa7: {  	s28 =	simm.s32 $_size_execute0_lowered;
	s3 =	sadd.s32 s3, s5;
	[dreg:$0x0] =	wrdreg $0x0  }
0xa8: {  	s5 =	sshll.u32 s28, $0x1;
	[dreg:$0x2] =	wrdreg s3  }
0xa9: {  	[dreg:$0x3] =	wrdreg s5  }
0xaa: {  	[dreg:$0x4] =	wrdreg $0xC0  }
0xab: {  	_ =	task [dreg:s7], $0x5FFFF  }
0xac: {  	[dreg:$0x1] =	wrdreg $0xFFFFFFFF  }
0xad: {  	[dreg:$0x0] =	wrdreg $0x60  }
0xae: {  	[dreg:$0x2] =	wrdreg s2  }
0xaf: {  	[dreg:$0x3] =	wrdreg s24  }
0xb0: {  	[dreg:$0x4] =	wrdreg $0x90000  }
0xb1: {  	[dreg:$0x5] =	wrdreg $0x9  }
0xb2: {  	_ =	task.clear_ibuf [dreg:s7], $0x6FFFF;
	_ =	strace $0x9000004C  }
0xb3: {  	s29 =	simm.s32 $0x9;
	_ =	strace $0x8000004E  }
0xb4: {  	_ =	swait.ge [sflag:s29], $0x1  }
0xb5: {  	[sflag:s29] =	ssyncadd.s32 $0xFFFFFFFF  }
0xb6: {  	_ =	strace $0x9000004E  }
0xb7: {  	_ =	sfence  }
0xb8: {  	s30 =	sld [smem:$0x0];
	_ =	sdelay $0x2  }
0xb9: {  	s31 =	sshll.u32 s1, $0xD;
	s1 =	sshrl.u32 s1, $0x2  }
0xba: {  	s3 =	sand.u32 $0x4000, s31;
	s1 =	sadd.s32 s1, s30  }
0xbb: {  	s0 =	sor.u32 s3, s0;
	s1 =	sshll.u32 s1, $0x11  }
0xbc: {  	s0 =	sor.u32 s1, s0  }
0xbd: {  	s0 =	sadd.s32 $0x8F2B, s0  }
0xbe: {  	[sflag:s0] =	ssyncadd.remote.s32 $0x1  }
0xbf: {  	_ =	sfence.sel $0xFFFF  }
0xc0: {  	[dreg:$0x0] =	wrdreg $0xFFFFFFFF;
	(pc) =	sbr.abs _section_cstart, $3  }
0xc1: {  	[dreg:$0x1] =	wrdreg $0xFFFFFFFF  }
0xc2: {  	_ =	task.clear_ibuf [dreg:s7], $0x2FFFF;
	_ =	strace $0x9FFFFFFF  }
0xc3: {  	(tm) =	ssettm $0x7FFFFFFF  }
tec
execute0_lowered:
.L_overlay_start_1:
0x0: {  	(tag) =	ssettag $0x1  }
0x1: {  	s1 =	rddreg [dreg:$0x0]  }
0x2: {  	s0 =	srdreg.scid;
	s6 =	rddreg [dreg:$0x1]  }
0x3: {  	s3 =	rddreg [dreg:$0x2];
	s4 =	simm.s32 $0x0;
	s14 =	simm.s32 $0x80  }
0x4: {  	s15 =	simm.s32 $0x5000;
	s16 =	simm.s32 $0x1;
	s5 =	sand.u32 $0x1, s0  }
0x5: {  	s17 =	simm.s32 $0x0;
	s0 =	stileid.u32;
	s8 =	smul.u32 $0x13C000, s5  }
0x6: {  	[smem:$0x7FF] =	sst s4;
	s2 =	sshll.u32 s5, $0x4;
	s9 =	smul.u32 $0x13C00, s0  }
0x7: {  	s30 =	ssub.s32 $0x2, s5;
	s11 =	smul.u32 $0x4F000, s0;
	s5 =	sadd.s32 $0xCC00, s6  }
0x8: {  	s12 =	sshll.u32 s0, $0x6;
	s2 =	sor.u32 s0, s2;
	s10 =	sshrl.u32 s30, $0x1  }
0x9: {  	s12 =	sor.u32 $0x1C02, s12;
	s7 =	smul.u32 $0x500, s2;
	s2 =	rddreg [dreg:$0x3]  }
0xa: {  	_ =	strace $0x8000004D;
	s8 =	sadd.s32 s9, s8;
	s9 =	ssub.s32 s30, s10  }
0xb: {  	s31 =	sshrl.u32 s11, $0x2;
	s10 =	simm.s32 $0x2;
	s11 =	simm.s32 $0x2800  }
0xc: {  	s8 =	sshrl.u32 s8, $0x3;
	s13 =	sadd.s32 s31, s3;
	s9 =	smax.u32 s9, $0x1  }
0xd: {  	s7 =	sadd.s32 s7, s6;
	s8 =	sadd.s32 s8, s6;
	s13 =	sshrl.u32 s13, $0x3  }
0xe: {  	s6 =	sadd.s32 $0x5E400, s7;
	s7 =	sadd.s32 $0x2C00, s7;
	s8 =	sadd.s32 $0xF400, s8  }
.LBB2_1:
0xf: {  	[tilespmem:s4], [sflag:$0x2] =	stream.linear.gather [hbm4b:s6+s4], $0x2780, $0x38;
	[tilespmem:$0x1CC00] =	vst v63  }
0x10: {  	_ =	swait.ge [sflag:s10], $0x2780  }
0x11: {  	[sflag:s10] =	ssyncset.done $0x0  }
0x12: {  	[sflag:s10] =	ssyncadd.s32 $0xFFFFD880  }
0x13: {  	[tilespmem:s11], [sflag:$0x2] =	stream.linear.gather [hbm4b:s7+s4], $0x2780, $0x38;
	[tilespmem:$0x1CC00] =	vst v63  }
0x14: {  	_ =	swait.ge [sflag:s10], $0x2780  }
0x15: {  	[sflag:s10] =	ssyncset.done $0x0  }
0x16: {  	[sflag:s10] =	ssyncadd.s32 $0xFFFFD880  }
0x17: {  	[spmem:s13], [sflag:s12] =	dma.local [hbm:s5], $0x2780  }
0x18: {  	_ =	swait.ge [sflag:s10], $0x2780  }
0x19: {  	[sflag:s10] =	ssyncset.done $0x0  }
0x1a: {  	[sflag:s10] =	ssyncadd.s32 $0xFFFFD880  }
0x1b: {  	s18 =	simm.s32 $0x0;
	[bflag:$0x0] =	sbarrier.arrive $0xFFFF  }
0x1c: {  	[tilespmem:s15], [sflag:$0x1] =	stream.indirect.gather [hbm4b:s1+s14], $0x80, s18, s14, $0xb8;
	[tilespmem:$0x1CC00] =	vst v63  }
0x1d: {  	_ =	swait.ge [sflag:s16], $0x4000  }
0x1e: {  	[sflag:s16] =	ssyncset.done $0x0  }
0x1f: {  	s31 =	simm.s32 $0x2800;
	[sflag:s16] =	ssyncadd.s32 $0xFFFFC000  }
0x20: {  	[spmem:s3] =	stream.indirect.scatter.add.f32 [tilespmem:s15], [sflag:$0x2], $0x80, s31, s14, $0xb8;
	[tilespmem:$0x1CC00] =	vst v63  }
0x21: {  	_ =	swait.ge [sflag:s10], $0x4000  }
0x22: {  	s19 =	simm.s32 $0x400;
	s18 =	simm.s32 $0x200;
	[sflag:s10] =	ssyncset.done $0x0  }
.LBB2_2:
0x23: {  	s20 =	sshra.s32 s18, $0x2  }
0x24: {  	[sflag:s10] =	ssyncadd.s32 $0xFFFFC000;
	s18 =	smov.u32 s19;
	s21 =	sadd.s32 $0x200, s19  }
0x25: {  	[tilespmem:s15], [sflag:$0x1] =	stream.indirect.gather [hbm4b:s1+s14], $0x80, s20, s14, $0xb8;
	[tilespmem:$0x1CC00] =	vst v63  }
0x26: {  	p0 =	sne.s32 s19, $0x9C00;
	_ =	swait.ge [sflag:s16], $0x4000  }
.Ltmp0:
0x27: {  	[sflag:s16] =	ssyncset.done $0x0;
	(pc) =	sbr.rel @p0 .LBB2_2-.Ltmp0, $4  }
0x28: {  	s19 =	sadd.s32 $0x2800, s20;
	[sflag:s16] =	ssyncadd.s32 $0xFFFFC000  }
0x29: {  	[spmem:s3] =	stream.indirect.scatter.add.f32 [tilespmem:s15], [sflag:$0x2], $0x80, s19, s14, $0xb8;
	[tilespmem:$0x1CC00] =	vst v63  }
0x2a: {  	_ =	swait.ge [sflag:s10], $0x4000  }
0x2b: {  	s19 =	smov.u32 s21;
	[sflag:s10] =	ssyncset.done $0x0  }
0x2c: {  	s18 =	sshra.s32 s18, $0x2;
	[sflag:s10] =	ssyncadd.s32 $0xFFFFC000  }
0x2d: {  	[tilespmem:s15], [sflag:$0x1] =	stream.indirect.gather [hbm4b:s1+s14], $0x80, s18, s14, $0xb8;
	[tilespmem:$0x1CC00] =	vst v63  }
0x2e: {  	_ =	swait.ge [sflag:s16], $0x4000  }
0x2f: {  	[sflag:s16] =	ssyncset.done $0x0  }
0x30: {  	s18 =	sadd.s32 $0x2800, s18;
	[sflag:s16] =	ssyncadd.s32 $0xFFFFC000  }
0x31: {  	[spmem:s3] =	stream.indirect.scatter.add.f32 [tilespmem:s15], [sflag:$0x2], $0x80, s18, s14, $0xb8;
	[tilespmem:$0x1CC00] =	vst v63  }
0x32: {  	_ =	swait.ge [sflag:s10], $0x4000  }
0x33: {  	s17 =	sadd.s32 $0x1, s17;
	[sflag:s10] =	ssyncset.done $0x0  }
0x34: {  	p0 =	sne.s32 s17, s9;
	[sflag:s10] =	ssyncadd.s32 $0xFFFFC000  }
.Ltmp1:
0x35: {  	[bflag:$0x0] =	sbarrier.arrive $0xFFFF;
	(pc) =	sbr.rel @p0 .LBB2_1-.Ltmp1, $4  }
0x36: {  	[hbm:s8], [sflag:s12] =	dma.local [spmem:s13], $0x2780  }
0x37: {  	_ =	swait.ge [sflag:s10], $0x2780  }
0x38: {  	[sflag:s10] =	ssyncset.done $0x0  }
0x39: {  	[sflag:s10] =	ssyncadd.s32 $0xFFFFD880  }
0x3a: {  	_ =	sfence.sel $0x180000  }
0x3b: {  	[bflag:$0x0] =	sbarrier.arrive $0xFFFF  }
0x3c: {  	p0 =	sne.s32 s0, $0x0;
	_ =	strace $0x9000004D  }
0x3d: {  	s0 =	sadd.s32 @!p0 $0x100000, s2;
	[bflag:$0x2] =	sbarrier.arrive $0xFFFF  }
0x3e: {  	[sflag:s0] =	ssyncadd.tile.s32 @!p0 $0x1;
	_ =	shalt  }
.Lfunc_end2:
_tile_overlayer_lowered:
.L_overlay_start_2:
0x3f: {  	(tag) =	ssettag $0x2  }
0x40: {  	s0 =	rddreg [dreg:$0x0];
	s2 =	stileid.u32  }
0x41: {  	s1 =	rddreg [dreg:$0x1];
	p0 =	sne.s32 s2, $0x0  }
0x42: {  	s3 =	rddreg [dreg:$0x2];
	[bflag:$0x3] =	sbarrier.arrive $0xFFFF;
	s2 =	simm.s32 @!p0 $0x1C02  }
0x43: {  	[timem:s3], [sflag:s2] =	dma.local @!p0 [hbm:s0], s1  }
0x44: {  	s0 =	simm.s32 @!p0 $0x2  }
0x45: {  	_ =	swait.ge @!p0 [sflag:s0], s1  }
0x46: {  	s1 =	ssub.s32 @!p0 $0x0, s1;
	[sflag:s0] =	ssyncset.done @!p0 $0x0  }
0x47: {  	[sflag:s0] =	ssyncadd.s32 @!p0 s1  }
0x48: {  	[bflag:$0x3] =	sbarrier.arrive $0xFFFF  }
0x49: {  	_ =	shalt  }

// kernel: kernel.8.cloned.1.call-start
scs
__scs_entry_jumppad:
0x0: {  	(pc) =	sbr.rel $0x88, $3  }
0x1: {  	(tag) =	ssettag $0x0;
	lr =	simm.s32 $0x1  }
0x2: {  	[smem:$0x3F99] =	sst lr;
	_ =	strace $0xD0000000  }
0x3: {  	_ = 	snop  }
0x4: {  	_ = 	snop  }
0x5: {  	_ = 	snop  }
0x6: {  	_ = 	snop  }
0x7: {  	_ = 	snop  }
__scs_overlays_trampoline_lowered:
0x8: {  	[smem:$0x3FA8] =	sst s0  }
0x9: {  	[smem:$0x3FA9] =	sst s1  }
0xa: {  	[smem:$0x3FAA] =	sst s2  }
0xb: {  	[smem:$0x3FAB] =	sst s3  }
0xc: {  	[smem:$0x3FAC] =	sst s4  }
0xd: {  	[smem:$0x3FAD] =	sst s5  }
0xe: {  	[smem:$0x3FAE] =	sst s6  }
0xf: {  	[smem:$0x3FAF] =	sst s7  }
0x10: {  	[smem:$0x3FB0] =	sst s8  }
0x11: {  	[smem:$0x3FB1] =	sst s9;
	s0 =	simm.s32 @!p0 $0x0  }
0x12: {  	s1 =	sld [smem:$0x3F97];
	s0 =	simm.s32 @p0 $0x1  }
0x13: {  	[smem:$0x3FB2] =	sst s0;
	s0 =	simm.s32 @!p1 $0x0  }
0x14: {  	s2 =	sld [smem:$0x3F96];
	s0 =	simm.s32 @p1 $0x1  }
0x15: {  	[smem:$0x3FB3] =	sst s0;
	s0 =	simm.s32 @!p2 $0x0  }
0x16: {  	s3 =	sld [smem:$0x3FDB];
	s0 =	simm.s32 @p2 $0x1  }
0x17: {  	s4 =	simm.s32 $0x1BF5;
	[smem:$0x3FB5] =	sst s0  }
0x18: {  	s0 =	sld [smem:$0x3F98];
	_ =	swait.ge [sflag:s4], $0x0  }
0x19: {  	s7 =	sld [smem:$0x3F99]  }
0x1a: {  	s8 =	sadd.s32 $0xFFFFE003, lr  }
0x1b: {  	s9 =	sadd.s32 $0xFFFFFEF7, lr;
	s5 =	simm.s32 $0xFFFFFFFF;
	p2 =	slt.u32 s8, $0xFFFFF086  }
0x1c: {  	p1 =	slt.u32 s9, $0xF7A;
	s5 =	simm.s32 @!p2 $0x0  }
0x1d: {  	s5 =	simm.s32 @p1 $0x1;
	p0 =	seq.s32 s7, s2  }
0x1e: {  	s7 =	smul.u32 @!p0 $0xF7A, s2;
	p2 =	seq.s32 @!p0 s5, $0x0  }
0x1f: {  	s9 =	smul.u32 $0xF7A, s1;
	s8 =	simm.s32 @!p0 $0x1BF5;
	p2 =	por !p2, p0  }
0x20: {  	[sflag:s8] =	ssyncset.s32 @!p0 $0xFFFFF086;
	s6 =	sadd.s32 @!p0 s3, s7;
	s7 =	simm.s32 @!p0 $0x108  }
0x21: {  	s3 =	sadd.s32 s3, s9;
	s6 =	sadd.s32 @!p0 $0x88, s6;
	s7 =	simm.s32 @p2 $0x1082  }
0x22: {  	[simem:s7], [sflag:s8] =	dma.local @!p0 [hbm:s6], $0xF7A  }
0x23: {  	s9 =	sor.u32 $0xD0000000, s2;
	s6 =	simm.s32 $0x108;
	_ =	swait.ge @!p0 [sflag:s8], $0x0  }
0x24: {  	s3 =	sadd.s32 $0x88, s3;
	s6 =	simm.s32 @!p1 $0x1082;
	[sflag:s4] =	ssyncset.s32 $0xFFFFF086  }
0x25: {  	[simem:s6], [sflag:s4] =	dma.local [hbm:s3], $0xF7A  }
0x26: {  	[smem:$0x3F99] =	sst s1;
	(tag) =	ssettag s2;
	_ =	strace s9  }
0x27: {  	s1 =	sld [smem:$0x3FA9]  }
0x28: {  	s2 =	sld [smem:$0x3FAA]  }
0x29: {  	s4 =	sld [smem:$0x3FAC]  }
0x2a: {  	p0 =	seq.s32 s5, $0x0;
	s5 =	sld [smem:$0x3FAD]  }
0x2b: {  	s6 =	sld [smem:$0x3FAE]  }
0x2c: {  	s7 =	sld [smem:$0x3FAF]  }
0x2d: {  	s3 =	simm.s32 $0x108;
	s8 =	sld [smem:$0x3FB0]  }
0x2e: {  	s3 =	simm.s32 @!p0 $0x1082;
	s9 =	sld [smem:$0x3FB1]  }
0x2f: {  	lr =	sadd.s32 s0, s3;
	s0 =	sld [smem:$0x3FA8]  }
0x30: {  	s3 =	sld [smem:$0x3FAB]  }
0x31: {  	[smem:$0x3FB4] =	sst s10  }
0x32: {  	s10 =	sld [smem:$0x3FB2];
	_ =	sdelay $0x3  }
0x33: {  	p0 =	seq.s32 s10, $0x1;
	s10 =	sld [smem:$0x3FB4];
	_ =	sdelay $0x3  }
0x34: {  	[smem:$0x3FB4] =	sst s10  }
0x35: {  	s10 =	sld [smem:$0x3FB3];
	_ =	sdelay $0x3  }
0x36: {  	p1 =	seq.s32 s10, $0x1;
	s10 =	sld [smem:$0x3FB4];
	_ =	sdelay $0x3  }
0x37: {  	[smem:$0x3FB4] =	sst s10  }
0x38: {  	s10 =	sld [smem:$0x3FB5]  }
0x39: {  	_ = 	snop;
	(pc) =	sbr.ind lr, $3  }
0x3a: {  	_ = 	snop  }
0x3b: {  	_ = 	snop  }
0x3c: {  	p2 =	seq.s32 s10, $0x1;
	s10 =	sld [smem:$0x3FB4]  }
0x3d: {  	_ =	shalt  }
0x3e: {  	_ =	shalt  }
0x3f: {  	_ =	shalt  }
0x40: {  	_ =	shalt  }
0x41: {  	_ =	shalt  }
0x42: {  	_ =	shalt  }
0x43: {  	_ =	shalt  }
0x44: {  	_ =	shalt  }
0x45: {  	_ =	shalt  }
0x46: {  	_ =	shalt  }
0x47: {  	_ =	shalt  }
0x48: {  	_ =	shalt  }
0x49: {  	_ =	shalt  }
0x4a: {  	_ =	shalt  }
0x4b: {  	_ =	shalt  }
0x4c: {  	_ =	shalt  }
0x4d: {  	_ =	shalt  }
0x4e: {  	_ =	shalt  }
0x4f: {  	_ =	shalt  }
0x50: {  	_ =	shalt  }
0x51: {  	_ =	shalt  }
0x52: {  	_ =	shalt  }
0x53: {  	_ =	shalt  }
0x54: {  	_ =	shalt  }
0x55: {  	_ =	shalt  }
0x56: {  	_ =	shalt  }
0x57: {  	_ =	shalt  }
0x58: {  	_ =	shalt  }
0x59: {  	_ =	shalt  }
0x5a: {  	_ =	shalt  }
0x5b: {  	_ =	shalt  }
0x5c: {  	_ =	shalt  }
0x5d: {  	_ =	shalt  }
0x5e: {  	_ =	shalt  }
0x5f: {  	_ =	shalt  }
0x60: {  	_ =	shalt  }
0x61: {  	_ =	shalt  }
0x62: {  	_ =	shalt  }
0x63: {  	_ =	shalt  }
0x64: {  	_ =	shalt  }
0x65: {  	_ =	shalt  }
0x66: {  	_ =	shalt  }
0x67: {  	_ =	shalt  }
0x68: {  	_ =	shalt  }
0x69: {  	_ =	shalt  }
0x6a: {  	_ =	shalt  }
0x6b: {  	_ =	shalt  }
0x6c: {  	_ =	shalt  }
0x6d: {  	_ =	shalt  }
0x6e: {  	_ =	shalt  }
0x6f: {  	_ =	shalt  }
0x70: {  	_ =	shalt  }
0x71: {  	_ =	shalt  }
0x72: {  	_ =	shalt  }
0x73: {  	_ =	shalt  }
0x74: {  	_ =	shalt  }
0x75: {  	_ =	shalt  }
0x76: {  	_ =	shalt  }
0x77: {  	_ =	shalt  }
0x78: {  	_ =	shalt  }
0x79: {  	_ =	shalt  }
0x7a: {  	_ =	shalt  }
0x7b: {  	_ =	shalt  }
0x7c: {  	_ =	shalt  }
0x7d: {  	_ =	shalt  }
0x7e: {  	_ =	shalt  }
0x7f: {  	_ =	shalt  }
0x80: {  	_ =	shalt  }
0x81: {  	_ =	shalt  }
0x82: {  	_ =	shalt  }
0x83: {  	_ =	shalt  }
0x84: {  	_ =	shalt  }
0x85: {  	_ =	shalt  }
0x86: {  	_ =	shalt  }
0x87: {  	_ =	shalt  }
.Lfunc_end0:
.L_simem_size_0:
called_computation_lowered:
.L_overlay_start_0:
0x88: {  	s2 =	sld [smem:$0x3FD9]  }
0x89: {  	s3 =	sld [smem:$0x3FFE];
	_ =	sdelay $0x1  }
0x8a: {  	s1 =	srdreg.scid  }
0x8b: {  	s0 =	sand.u32 $0x1, s1  }
0x8c: {  	s17 =	sshll.u32 s0, $0xA;
	s2 =	sadd.s32 s3, s2  }
0x8d: {  	s2 =	sadd.s32 s2, s17  }
0x8e: {  	[smem:$0x3FC0] =	sst s2  }
0x8f: {  	_ = 	snop  }
0x90: {  	s2 =	sld [smem:$0x3FD0];
	(tm) =	ssettm $0x1  }
0x91: {  	s18 =	sld [smem:$0x3FFB];
	_ =	sdelay $0x3  }
0x92: {  	_ =	strace s18  }
0x93: {  	s3 =	sld [smem:$0x3FFC];
	_ =	sdelay $0x3  }
0x94: {  	_ =	strace s3  }
0x95: {  	s3 =	sld [smem:$0x3FFD];
	_ =	sdelay $0x3  }
0x96: {  	_ =	strace s3  }
0x97: {  	_ =	strace $0x8FFFFFFF  }
0x98: {  	s19 =	sld [smem:$0x3FDB];
	_ =	sdelay $0x1  }
0x99: {  	s4 =	simm.s32 $_scs_section_size  }
0x9a: {  	s5 =	simm.s32 $_size__tile_overlayer_lowered;
	s6 =	simm.s32 $_tile_overlayer_lowered  }
0x9b: {  	s22 =	simm.s32 $0x1BFF;
	s21 =	sshll.u32 s6, $0x1;
	s3 =	sadd.s32 s4, s19  }
0x9c: {  	s7 =	simm.s32 $0x0;
	s20 =	sshll.u32 s5, $0x1;
	s5 =	sadd.s32 s21, s3  }
0x9d: {  	[timem:s7], [sflag:s22] =	dma.local [hbm:s5], s20  }
0x9e: {  	_ =	swait.ge [sflag:s22], s20  }
0x9f: {  	s4 =	ssub.s32 $0x0, s20;
	[sflag:s22] =	ssyncset.done $0x0  }
0xa0: {  	[sflag:s22] =	ssyncadd.s32 s4;
	_ =	sdelay $0x1  }
0xa1: {  	s23 =	simm.s32 $0x1B8B  }
0xa2: {  	_ =	swait.ge [sflag:s23], $0x1  }
0xa3: {  	[sflag:s23] =	ssyncset.done $0x0  }
0xa4: {  	s25 =	simm.s32 $0x1B8E;
	s24 =	sld [smem:$0x3FFE];
	[sflag:s23] =	ssyncadd.s32 $0xFFFFFFFF  }
0xa5: {  	s26 =	simm.s32 $execute0_lowered;
	[smem:$0x3FD2] =	sst s25  }
0xa6: {  	s5 =	sshll.u32 s26, $0x1;
	_ =	strace $0x80000046;
	[dreg:$0x1] =	wrdreg $0xFFFFFFFF  }
0xa7: {  	s28 =	simm.s32 $_size_execute0_lowered;
	s3 =	sadd.s32 s3, s5;
	[dreg:$0x0] =	wrdreg $0x0  }
0xa8: {  	s5 =	sshll.u32 s28, $0x1;
	[dreg:$0x2] =	wrdreg s3  }
0xa9: {  	[dreg:$0x3] =	wrdreg s5  }
0xaa: {  	[dreg:$0x4] =	wrdreg $0xC0  }
0xab: {  	_ =	task [dreg:s7], $0x5FFFF  }
0xac: {  	[dreg:$0x1] =	wrdreg $0xFFFFFFFF  }
0xad: {  	[dreg:$0x0] =	wrdreg $0x60  }
0xae: {  	[dreg:$0x2] =	wrdreg s24  }
0xaf: {  	[dreg:$0x3] =	wrdreg s2  }
0xb0: {  	[dreg:$0x4] =	wrdreg $0x68000  }
0xb1: {  	[dreg:$0x5] =	wrdreg $0x9  }
0xb2: {  	_ =	task.clear_ibuf [dreg:s7], $0x6FFFF;
	_ =	strace $0x90000046  }
0xb3: {  	s29 =	simm.s32 $0x9;
	_ =	strace $0x80000048  }
0xb4: {  	_ =	swait.ge [sflag:s29], $0x1  }
0xb5: {  	[sflag:s29] =	ssyncadd.s32 $0xFFFFFFFF  }
0xb6: {  	_ =	strace $0x90000048  }
0xb7: {  	_ =	sfence  }
0xb8: {  	s30 =	sld [smem:$0x0];
	_ =	sdelay $0x2  }
0xb9: {  	s31 =	sshll.u32 s1, $0xD;
	s1 =	sshrl.u32 s1, $0x2  }
0xba: {  	s3 =	sand.u32 $0x4000, s31;
	s1 =	sadd.s32 s1, s30  }
0xbb: {  	s0 =	sor.u32 s3, s0;
	s1 =	sshll.u32 s1, $0x11  }
0xbc: {  	s0 =	sor.u32 s1, s0  }
0xbd: {  	s0 =	sadd.s32 $0x8F2B, s0  }
0xbe: {  	[sflag:s0] =	ssyncadd.remote.s32 $0x1  }
0xbf: {  	_ =	sfence.sel $0xFFFF  }
0xc0: {  	[dreg:$0x0] =	wrdreg $0xFFFFFFFF;
	(pc) =	sbr.abs _section_cstart, $3  }
0xc1: {  	[dreg:$0x1] =	wrdreg $0xFFFFFFFF  }
0xc2: {  	_ =	task.clear_ibuf [dreg:s7], $0x2FFFF;
	_ =	strace $0x9FFFFFFF  }
0xc3: {  	(tm) =	ssettm $0x7FFFFFFF  }
tec
execute0_lowered:
.L_overlay_start_1:
0x0: {  	(tag) =	ssettag $0x1  }
0x1: {  	s7 =	rddreg [dreg:$0x0]  }
0x2: {  	s0 =	srdreg.scid;
	s2 =	rddreg [dreg:$0x1]  }
0x3: {  	s3 =	rddreg [dreg:$0x2];
	s4 =	simm.s32 $0x0;
	s6 =	sand.u32 $0x1, s0  }
0x4: {  	s13 =	simm.s32 $0x80;
	s0 =	stileid.u32;
	s8 =	smul.u32 $0x13C000, s6  }
0x5: {  	s14 =	simm.s32 $0x0;
	[smem:$0x7FF] =	sst s4;
	s9 =	smul.u32 $0x13C00, s0  }
0x6: {  	s1 =	sshll.u32 s6, $0x4;
	s30 =	smul.u32 $0x4F000, s0;
	s6 =	ssub.s32 $0x2, s6  }
0x7: {  	s11 =	sshll.u32 s0, $0x6;
	s1 =	sor.u32 s0, s1;
	s31 =	sshrl.u32 s6, $0x1  }
0x8: {  	s11 =	sor.u32 $0x1C01, s11;
	s5 =	smul.u32 $0x500, s1;
	s1 =	rddreg [dreg:$0x3]  }
0x9: {  	_ =	strace $0x80000047;
	s8 =	sadd.s32 s9, s8;
	s9 =	sshrl.u32 s30, $0x2  }
0xa: {  	s8 =	sshrl.u32 s8, $0x3;
	s12 =	sadd.s32 s9, s3;
	s9 =	simm.s32 $0x1  }
0xb: {  	s10 =	sadd.s32 s5, s7;
	s5 =	sadd.s32 $0xCC00, s7;
	s7 =	sadd.s32 s8, s7  }
0xc: {  	s8 =	ssub.s32 s6, s31;
	s12 =	sshrl.u32 s12, $0x3;
	s6 =	sadd.s32 $0x2C00, s10  }
0xd: {  	s7 =	sadd.s32 $0xF400, s7;
	s8 =	smax.u32 s8, $0x1;
	s10 =	simm.s32 $0x2800  }
.LBB2_1:
0xe: {  	[tilespmem:s4], [sflag:$0x1] =	stream.linear.gather [hbm4b:s6+s4], $0x2780, $0x38;
	[tilespmem:$0x1A400] =	vst v63  }
0xf: {  	_ =	swait.ge [sflag:s9], $0x2780  }
0x10: {  	[sflag:s9] =	ssyncset.done $0x0  }
0x11: {  	[sflag:s9] =	ssyncadd.s32 $0xFFFFD880  }
0x12: {  	[tilespmem:s10], [sflag:$0x1] =	stream.linear.gather [hbm4b:s2+s4], $0x4000, $0x38;
	[tilespmem:$0x1A400] =	vst v63  }
0x13: {  	_ =	swait.ge [sflag:s9], $0x4000  }
0x14: {  	[sflag:s9] =	ssyncset.done $0x0  }
0x15: {  	[sflag:s9] =	ssyncadd.s32 $0xFFFFC000  }
0x16: {  	[spmem:s12], [sflag:s11] =	dma.local [hbm:s5], $0x2780  }
0x17: {  	_ =	swait.ge [sflag:s9], $0x2780  }
0x18: {  	[sflag:s9] =	ssyncset.done $0x0  }
0x19: {  	[sflag:s9] =	ssyncadd.s32 $0xFFFFD880  }
0x1a: {  	s15 =	simm.s32 $0x0;
	[bflag:$0x0] =	sbarrier.arrive $0xFFFF  }
0x1b: {  	[spmem:s3] =	stream.indirect.scatter.add.f32 [tilespmem:s10], [sflag:$0x1], $0x80, s15, s13, $0xb8;
	[tilespmem:$0x1A400] =	vst v63  }
0x1c: {  	_ =	swait.ge [sflag:s9], $0x4000  }
0x1d: {  	s15 =	simm.s32 $0x200;
	[sflag:s9] =	ssyncset.done $0x0  }
.LBB2_2:
0x1e: {  	s16 =	sshra.s32 s15, $0x2;
	[sflag:s9] =	ssyncadd.s32 $0xFFFFC000;
	p0 =	sne.s32 s15, $0x9C00  }
0x1f: {  	[spmem:s3] =	stream.indirect.scatter.add.f32 [tilespmem:s10], [sflag:$0x1], $0x80, s16, s13, $0xb8;
	[tilespmem:$0x1A400] =	vst v63  }
.Ltmp0:
0x20: {  	_ = 	snop;
	(pc) =	sbr.rel @p0 .LBB2_2-.Ltmp0, $4  }
0x21: {  	_ = 	snop  }
0x22: {  	s15 =	sadd.s32 $0x200, s15  }
0x23: {  	_ =	swait.ge [sflag:s9], $0x4000  }
0x24: {  	[sflag:s9] =	ssyncset.done $0x0  }
0x25: {  	s14 =	sadd.s32 $0x1, s14  }
0x26: {  	[sflag:s9] =	ssyncadd.s32 $0xFFFFC000;
	p0 =	sne.s32 s14, s8  }
.Ltmp1:
0x27: {  	[bflag:$0x0] =	sbarrier.arrive $0xFFFF;
	(pc) =	sbr.rel @p0 .LBB2_1-.Ltmp1, $4  }
0x28: {  	[hbm:s7], [sflag:s11] =	dma.local [spmem:s12], $0x2780  }
0x29: {  	_ =	swait.ge [sflag:s9], $0x2780  }
0x2a: {  	[sflag:s9] =	ssyncset.done $0x0  }
0x2b: {  	[sflag:s9] =	ssyncadd.s32 $0xFFFFD880  }
0x2c: {  	_ =	sfence.sel $0x180000  }
0x2d: {  	[bflag:$0x0] =	sbarrier.arrive $0xFFFF  }
0x2e: {  	p0 =	sne.s32 s0, $0x0;
	_ =	strace $0x90000047  }
0x2f: {  	s0 =	sadd.s32 @!p0 $0x100000, s1;
	[bflag:$0x2] =	sbarrier.arrive $0xFFFF  }
0x30: {  	[sflag:s0] =	ssyncadd.tile.s32 @!p0 $0x1;
	_ =	shalt  }
.Lfunc_end2:
_tile_overlayer_lowered:
.L_overlay_start_2:
0x31: {  	(tag) =	ssettag $0x2  }
0x32: {  	s0 =	rddreg [dreg:$0x0];
	s2 =	stileid.u32  }
0x33: {  	s1 =	rddreg [dreg:$0x1];
	p0 =	sne.s32 s2, $0x0  }
0x34: {  	s3 =	rddreg [dreg:$0x2];
	[bflag:$0x3] =	sbarrier.arrive $0xFFFF;
	s2 =	simm.s32 @!p0 $0x1C01  }
0x35: {  	[timem:s3], [sflag:s2] =	dma.local @!p0 [hbm:s0], s1  }
0x36: {  	s0 =	simm.s32 @!p0 $0x1  }
0x37: {  	_ =	swait.ge @!p0 [sflag:s0], s1  }
0x38: {  	s1 =	ssub.s32 @!p0 $0x0, s1;
	[sflag:s0] =	ssyncset.done @!p0 $0x0  }
0x39: {  	[sflag:s0] =	ssyncadd.s32 @!p0 s1  }
0x3a: {  	[bflag:$0x3] =	sbarrier.arrive $0xFFFF  }
0x3b: {  	_ =	shalt  }

</sc_bundles>
